<compile_context>
chip_gen: v7x
topology: tpu7x:2x2x1
jax: 0.10.2.dev20260603
libtpu: 0.0.44.dev20260713+nightly
codegen_flags: <defaults>
</compile_context>

<pallas_src>
import functools

import jax
import jax.numpy as jnp
from jax import lax
from jax.experimental import pallas as pl
from jax.experimental.pallas import tpu as pltpu
from jax.experimental.pallas import tpu_sc as plsc

_K = 8192
_D = 32
_B = 8
_S = 1024
_M = _B * _S
_COMMIT = 0.25

_BM = 512
_BK = 1024
_BLK = 2048
_M_TILES = _M // _BM
_N_BLOCKS = _K // _BLK
_TILES_PER_BLK = _BLK // _BK

_NC = 2
_NS = 16
_NW = _NC * _NS
_ROWS_PER_W = _M // _NW
_CHUNK = 128
_NCHUNK = _ROWS_PER_W // _CHUNK


def _tile_argmin(xb, x2, w2_ref, wth_ref, wtl_ref, j):
    wth = wth_ref[:, j * _BK:(j + 1) * _BK]
    wtl = wtl_ref[:, j * _BK:(j + 1) * _BK]
    w2 = w2_ref[:, j * _BK:(j + 1) * _BK]
    m2 = lax.dot_general(xb, wth, (((1,), (0,)), ((), ())),
                         preferred_element_type=jnp.float32)
    m2 = m2 + lax.dot_general(xb, wtl, (((1,), (0,)), ((), ())),
                              preferred_element_type=jnp.float32)
    dist = (x2 + w2) - m2
    tmin = jnp.min(dist, axis=1, keepdims=True)
    iota = lax.broadcasted_iota(jnp.int32, (_BM, _BK), 1)
    cand = jnp.where(dist == tmin, iota, _BK)
    tidx = jnp.min(cand, axis=1, keepdims=True) + j * _BK
    return tmin, tidx


def _argmin_body(xb_ref, x2_ref, w2_ref, wth_ref, wtl_ref, idx_ref, loss_ref):
    i = pl.program_id(0)
    xb = xb_ref[...]
    x2 = x2_ref[...]
    acc_v = None
    acc_i = None
    for blk in range(_N_BLOCKS):
        bv = None
        bi = None
        for t in range(_TILES_PER_BLK):
            tmin, tidx = _tile_argmin(xb, x2, w2_ref, wth_ref, wtl_ref,
                                      blk * _TILES_PER_BLK + t)
            if bv is None:
                bv, bi = tmin, tidx
            else:
                better = tmin < bv
                bv = jnp.where(better, tmin, bv)
                bi = jnp.where(better, tidx, bi)
        if acc_v is None:
            acc_v, acc_i = bv, bi
        else:
            acc_coarse = acc_v.astype(jnp.bfloat16).astype(jnp.float32)
            keep = acc_coarse <= bv
            acc_v = jnp.where(keep, acc_v, bv)
            acc_i = jnp.where(keep, acc_i, bi)
    idx_ref[...] = acc_i

    @pl.when(i == 0)
    def _init():
        loss_ref[...] = jnp.zeros_like(loss_ref)

    loss_ref[...] = loss_ref[...] + jnp.sum(acc_v)


_argmin_call = pl.pallas_call(
    _argmin_body,
    grid=(_M_TILES,),
    in_specs=[
        pl.BlockSpec((_BM, _D), lambda i: (i, 0)),
        pl.BlockSpec((_BM, 1), lambda i: (i, 0)),
        pl.BlockSpec((1, _K), lambda i: (0, 0)),
        pl.BlockSpec((_D, _K), lambda i: (0, 0)),
        pl.BlockSpec((_D, _K), lambda i: (0, 0)),
    ],
    out_specs=[
        pl.BlockSpec((_BM, 1), lambda i: (i, 0)),
        pl.BlockSpec((1, 1), lambda i: (0, 0)),
    ],
    out_shape=[
        jax.ShapeDtypeStruct((_M, 1), jnp.int32),
        jax.ShapeDtypeStruct((1, 1), jnp.float32),
    ],
    compiler_params=pltpu.CompilerParams(
        dimension_semantics=("arbitrary",),
    ),
)


@functools.partial(
    pl.kernel,
    mesh=plsc.VectorSubcoreMesh(core_axis_name="c", subcore_axis_name="s"),
    out_type=jax.ShapeDtypeStruct((_NW * _NCHUNK, _CHUNK, _D), jnp.float32),
    scratch_types=[
        pltpu.VMEM((_NCHUNK, _CHUNK), jnp.int32),
        pltpu.VMEM((_NCHUNK, _CHUNK, _D), jnp.float32),
        pltpu.VMEM((_NCHUNK, _CHUNK, _D), jnp.float32),
        pltpu.SemaphoreType.DMA,
    ],
    compiler_params=pltpu.CompilerParams(use_tc_tiling_on_sc=False),
)
def _sc_gather_st(w_hbm, idx_hbm, lat_hbm, out_hbm, idx_v, rows_v, lat_v, sem):
    wid = lax.axis_index("s") * _NC + lax.axis_index("c")
    base = wid * _NCHUNK
    pltpu.sync_copy(idx_hbm.at[pl.ds(base, _NCHUNK)], idx_v)
    copies = [
        pltpu.async_copy(w_hbm.at[idx_v.at[k]], rows_v.at[k], sem)
        for k in range(_NCHUNK)
    ]
    pltpu.sync_copy(lat_hbm.at[pl.ds(base, _NCHUNK)], lat_v)
    for cp in copies:
        cp.wait()

    def _st_row(i, _):
        for k in range(_NCHUNK):
            for c in range(_D // 16):
                sl = pl.ds(c * 16, 16)
                l = lat_v[k, i, sl]
                q = rows_v[k, i, sl]
                rows_v[k, i, sl] = l + (q - l)
        return 0

    lax.fori_loop(0, _CHUNK, _st_row, 0)
    pltpu.sync_copy(rows_v, out_hbm.at[pl.ds(base, _NCHUNK)])


def kernel(latents, W):
    flat = latents.reshape(-1, _D)
    x2 = jnp.sum(flat ** 2, axis=1, keepdims=True)
    w2 = jnp.sum(W ** 2, axis=1).reshape(1, _K)
    wt = W.T
    wt_hi = wt.astype(jnp.bfloat16)
    wt_lo = (wt - wt_hi.astype(jnp.float32)).astype(jnp.bfloat16)
    wt_hi = (wt_hi.astype(jnp.float32) * 2.0).astype(jnp.bfloat16)
    wt_lo = (wt_lo.astype(jnp.float32) * 2.0).astype(jnp.bfloat16)
    xb = flat.astype(jnp.bfloat16)
    idx2d, loss_sum = _argmin_call(xb, x2, w2, wt_hi, wt_lo)
    idx_chunks = idx2d.reshape(_NW * _NCHUNK, _CHUNK)
    lat_chunks = flat.reshape(_NW * _NCHUNK, _CHUNK, _D)
    qst = _sc_gather_st(W, idx_chunks, lat_chunks)
    loss = loss_sum[0, 0] * ((1.0 + _COMMIT) / (_M * _D))
    indices = idx2d.reshape(_B, _S)
    return qst.reshape(_B, _S, _D), loss, indices

# --- scband reference (transcript-rebuilt; emitter-appended) ---
"""Pipeline reference for scband-vector-quantizer-7447473291884 (READ-ONLY COPY).

The authoritative reference and input builder live on the scoring server;
editing this copy changes nothing except your own understanding.
"""

import jax, jax.numpy as jnp
import numpy as np

K = 8192
D = 32
B = 8
S = 1024
COMMITMENT_COST = 0.25


def setup_inputs(seed: int = 0) -> dict:
    key = jax.random.key(seed)
    k1, k2 = jax.random.split(key)
    latents = jax.random.normal(k1, (B, S, D), dtype=jnp.float32)
    # Embedding table initialized uniform(-1/K, 1/K) as in the torch module
    W = jax.random.uniform(k2, (K, D), dtype=jnp.float32, minval=-1.0 / K, maxval=1.0 / K)
    return {"latents": latents, "W": W}


def reference(latents, W):
    # Flatten to (B*S, D)
    flat = latents.reshape(-1, D)
    # Squared L2 distances to every codebook entry
    distances = (
        jnp.sum(flat ** 2, axis=1, keepdims=True)
        + jnp.sum(W ** 2, axis=1)
        - 2.0 * jnp.matmul(flat, W.T)
    )
    indices = jnp.argmin(distances, axis=1).reshape(latents.shape[:-1])
    # Embedding gather
    quantized = jnp.take(W, indices, axis=0)
    # Training-mode loss (EMA buffer update omitted: it only mutates state
    # for the next step and does not affect this forward's outputs)
    commitment_loss = COMMITMENT_COST * jnp.mean(
        (latents - jax.lax.stop_gradient(quantized)) ** 2
    )
    codebook_loss = jnp.mean((quantized - jax.lax.stop_gradient(latents)) ** 2)
    loss = commitment_loss + codebook_loss
    # Straight-through estimator
    quantized_st = latents + jax.lax.stop_gradient(quantized - latents)
    return quantized_st, loss, indices

if __name__ == "__main__":
    import jax
    _d = setup_inputs()
    print(jax.jit(kernel)(*tuple(_d.values())))

</pallas_src>

<mosaic_0001>
#map = affine_map<(d0, d1) -> (0, 0)>
#map1 = affine_map<(d0, d1) -> (0, 0, 0)>
module attributes {stable_mosaic.version = 14 : i64} {
  func.func @_sc_gather_st(%arg0: i32, %arg1: i32, %arg2: memref<8192x32xf32, #tpu.memory_space<hbm>>, %arg3: memref<64x128xi32, #tpu.memory_space<hbm>>, %arg4: memref<64x128x32xf32, #tpu.memory_space<hbm>>, %arg5: memref<64x128x32xf32, #tpu.memory_space<hbm>>, %arg6: memref<2x128xi32, #tpu.memory_space<vmem>>, %arg7: memref<2x128x32xf32, #tpu.memory_space<vmem>>, %arg8: memref<2x128x32xf32, #tpu.memory_space<vmem>>, %arg9: memref<!tpu.dma_semaphore, #tpu.memory_space<semaphore_mem>>) attributes {dimension_semantics = [#tpu.dimension_semantics<core_parallel>, #tpu.dimension_semantics<subcore_parallel>], iteration_bounds = array<i64: 2, 16>, scalar_prefetch = 0 : i64, scratch_operands = 4 : i64, tpu.core_type = #tpu.core_type<sc_vector_subcore>, window_params = [{transform_indices = #map}, {transform_indices = #map}, {transform_indices = #map1}, {transform_indices = #map1}]} {
    %mul3A = arith.constant 2 : i32
    %mul3A_0 = arith.muli %arg1, %mul3A : i32
    %add3A = arith.addi %mul3A_0, %arg0 : i32
    %mul3A_1 = arith.constant 2 : i32
    %mul3A_2 = arith.muli %add3A, %mul3A_1 : i32
    "tpu.region"() ({
      %run_scoped3A = tpu.sem_alloc : memref<!tpu.dma_semaphore, #tpu.memory_space<semaphore_mem>>
      %dma_start3A_55 = arith.constant 0 : i32
      %dma_start3A_56 = tpu.memref_slice %arg3[%mul3A_2, %dma_start3A_55] : memref<64x128xi32, #tpu.memory_space<hbm>> -> memref<2x128xi32, #tpu.memory_space<hbm>>
      %dma_start3A_57 = arith.constant 0 : i32
      %dma_start3A_58 = tpu.memref_slice %arg3[%mul3A_2, %dma_start3A_57] : memref<64x128xi32, #tpu.memory_space<hbm>> -> memref<2x128xi32, #tpu.memory_space<hbm>>
      tpu.enqueue_dma source(%dma_start3A_58 : memref<2x128xi32, #tpu.memory_space<hbm>>) target(%arg6 : memref<2x128xi32, #tpu.memory_space<vmem>>) target_semaphore(%run_scoped3A : memref<!tpu.dma_semaphore, #tpu.memory_space<semaphore_mem>>)
      %dma_wait3A_59 = arith.constant 0 : i32
      %dma_wait3A_60 = tpu.memref_slice %arg3[%mul3A_2, %dma_wait3A_59] : memref<64x128xi32, #tpu.memory_space<hbm>> -> memref<2x128xi32, #tpu.memory_space<hbm>>
      %dma_wait3A_61 = arith.constant 0 : i32
      %dma_wait3A_62 = tpu.memref_slice %arg3[%mul3A_2, %dma_wait3A_61] : memref<64x128xi32, #tpu.memory_space<hbm>> -> memref<2x128xi32, #tpu.memory_space<hbm>>
      tpu.wait_dma2 semaphore(%run_scoped3A : memref<!tpu.dma_semaphore, #tpu.memory_space<semaphore_mem>>) src(%dma_wait3A_62 : memref<2x128xi32, #tpu.memory_space<hbm>>) dst(%arg6 : memref<2x128xi32, #tpu.memory_space<vmem>>)
      tpu.yield
    }) : () -> ()
    %dma_start3A = arith.constant 0 : i32
    %dma_start3A_3 = arith.constant 0 : i32
    %dma_start3A_4 = arith.constant 0 : i32
    %dma_start3A_5 = arith.constant 0 : i32
    %dma_start3A_6 = tpu.memref_slice %arg7[%dma_start3A_3, %dma_start3A_4, %dma_start3A_5] : memref<2x128x32xf32, #tpu.memory_space<vmem>> -> memref<1x128x32xf32, #tpu.memory_space<vmem>>
    %dma_start3A_7 = tpu.memref_squeeze %dma_start3A_6 : memref<1x128x32xf32, #tpu.memory_space<vmem>> -> memref<128x32xf32, #tpu.memory_space<vmem>>
    %dma_start3A_8 = arith.constant 0 : i32
    %dma_start3A_9 = tpu.memref_slice %arg6[%dma_start3A, %dma_start3A_8] : memref<2x128xi32, #tpu.memory_space<vmem>> -> memref<1x128xi32, #tpu.memory_space<vmem>>
    %dma_start3A_10 = tpu.memref_squeeze %dma_start3A_9 : memref<1x128xi32, #tpu.memory_space<vmem>> -> memref<128xi32, #tpu.memory_space<vmem>>
    %dma_start3A_11 = arith.constant 0 : i32
    %dma_start3A_12 = arith.constant 0 : i32
    %dma_start3A_13 = tpu.memref_slice %arg2[%dma_start3A_11, %dma_start3A_12] : memref<8192x32xf32, #tpu.memory_space<hbm>> -> memref<8192x32xf32, #tpu.memory_space<hbm>>
    tpu.enqueue_indirect_dma source(%dma_start3A_13 : memref<8192x32xf32, #tpu.memory_space<hbm>>) target(%dma_start3A_7 : memref<128x32xf32, #tpu.memory_space<vmem>>) offsets(%dma_start3A_10 : memref<128xi32, #tpu.memory_space<vmem>>) semaphore(%arg9 : memref<!tpu.dma_semaphore, #tpu.memory_space<semaphore_mem>>)
    %dma_start3A_14 = arith.constant 1 : i32
    %dma_start3A_15 = arith.constant 1 : i32
    %dma_start3A_16 = arith.constant 0 : i32
    %dma_start3A_17 = arith.constant 0 : i32
    %dma_start3A_18 = tpu.memref_slice %arg7[%dma_start3A_15, %dma_start3A_16, %dma_start3A_17] : memref<2x128x32xf32, #tpu.memory_space<vmem>> -> memref<1x128x32xf32, #tpu.memory_space<vmem>>
    %dma_start3A_19 = tpu.memref_squeeze %dma_start3A_18 : memref<1x128x32xf32, #tpu.memory_space<vmem>> -> memref<128x32xf32, #tpu.memory_space<vmem>>
    %dma_start3A_20 = arith.constant 0 : i32
    %dma_start3A_21 = tpu.memref_slice %arg6[%dma_start3A_14, %dma_start3A_20] : memref<2x128xi32, #tpu.memory_space<vmem>> -> memref<1x128xi32, #tpu.memory_space<vmem>>
    %dma_start3A_22 = tpu.memref_squeeze %dma_start3A_21 : memref<1x128xi32, #tpu.memory_space<vmem>> -> memref<128xi32, #tpu.memory_space<vmem>>
    %dma_start3A_23 = arith.constant 0 : i32
    %dma_start3A_24 = arith.constant 0 : i32
    %dma_start3A_25 = tpu.memref_slice %arg2[%dma_start3A_23, %dma_start3A_24] : memref<8192x32xf32, #tpu.memory_space<hbm>> -> memref<8192x32xf32, #tpu.memory_space<hbm>>
    tpu.enqueue_indirect_dma source(%dma_start3A_25 : memref<8192x32xf32, #tpu.memory_space<hbm>>) target(%dma_start3A_19 : memref<128x32xf32, #tpu.memory_space<vmem>>) offsets(%dma_start3A_22 : memref<128xi32, #tpu.memory_space<vmem>>) semaphore(%arg9 : memref<!tpu.dma_semaphore, #tpu.memory_space<semaphore_mem>>)
    "tpu.region"() ({
      %run_scoped3A = tpu.sem_alloc : memref<!tpu.dma_semaphore, #tpu.memory_space<semaphore_mem>>
      %dma_start3A_55 = arith.constant 0 : i32
      %dma_start3A_56 = arith.constant 0 : i32
      %dma_start3A_57 = tpu.memref_slice %arg4[%mul3A_2, %dma_start3A_55, %dma_start3A_56] : memref<64x128x32xf32, #tpu.memory_space<hbm>> -> memref<2x128x32xf32, #tpu.memory_space<hbm>>
      %dma_start3A_58 = arith.constant 0 : i32
      %dma_start3A_59 = arith.constant 0 : i32
      %dma_start3A_60 = tpu.memref_slice %arg4[%mul3A_2, %dma_start3A_58, %dma_start3A_59] : memref<64x128x32xf32, #tpu.memory_space<hbm>> -> memref<2x128x32xf32, #tpu.memory_space<hbm>>
      tpu.enqueue_dma source(%dma_start3A_60 : memref<2x128x32xf32, #tpu.memory_space<hbm>>) target(%arg8 : memref<2x128x32xf32, #tpu.memory_space<vmem>>) target_semaphore(%run_scoped3A : memref<!tpu.dma_semaphore, #tpu.memory_space<semaphore_mem>>)
      %dma_wait3A_61 = arith.constant 0 : i32
      %dma_wait3A_62 = arith.constant 0 : i32
      %dma_wait3A_63 = tpu.memref_slice %arg4[%mul3A_2, %dma_wait3A_61, %dma_wait3A_62] : memref<64x128x32xf32, #tpu.memory_space<hbm>> -> memref<2x128x32xf32, #tpu.memory_space<hbm>>
      %dma_wait3A_64 = arith.constant 0 : i32
      %dma_wait3A_65 = arith.constant 0 : i32
      %dma_wait3A_66 = tpu.memref_slice %arg4[%mul3A_2, %dma_wait3A_64, %dma_wait3A_65] : memref<64x128x32xf32, #tpu.memory_space<hbm>> -> memref<2x128x32xf32, #tpu.memory_space<hbm>>
      tpu.wait_dma2 semaphore(%run_scoped3A : memref<!tpu.dma_semaphore, #tpu.memory_space<semaphore_mem>>) src(%dma_wait3A_66 : memref<2x128x32xf32, #tpu.memory_space<hbm>>) dst(%arg8 : memref<2x128x32xf32, #tpu.memory_space<vmem>>)
      tpu.yield
    }) : () -> ()
    %dma_wait3A = arith.constant 0 : i32
    %dma_wait3A_26 = arith.constant 0 : i32
    %dma_wait3A_27 = arith.constant 0 : i32
    %dma_wait3A_28 = arith.constant 0 : i32
    %dma_wait3A_29 = tpu.memref_slice %arg7[%dma_wait3A_26, %dma_wait3A_27, %dma_wait3A_28] : memref<2x128x32xf32, #tpu.memory_space<vmem>> -> memref<1x128x32xf32, #tpu.memory_space<vmem>>
    %dma_wait3A_30 = tpu.memref_squeeze %dma_wait3A_29 : memref<1x128x32xf32, #tpu.memory_space<vmem>> -> memref<128x32xf32, #tpu.memory_space<vmem>>
    %dma_wait3A_31 = arith.constant 0 : i32
    %dma_wait3A_32 = tpu.memref_slice %arg6[%dma_wait3A, %dma_wait3A_31] : memref<2x128xi32, #tpu.memory_space<vmem>> -> memref<1x128xi32, #tpu.memory_space<vmem>>
    %dma_wait3A_33 = tpu.memref_squeeze %dma_wait3A_32 : memref<1x128xi32, #tpu.memory_space<vmem>> -> memref<128xi32, #tpu.memory_space<vmem>>
    %dma_wait3A_34 = arith.constant 0 : i32
    %dma_wait3A_35 = arith.constant 0 : i32
    %dma_wait3A_36 = tpu.memref_slice %arg2[%dma_wait3A_34, %dma_wait3A_35] : memref<8192x32xf32, #tpu.memory_space<hbm>> -> memref<8192x32xf32, #tpu.memory_space<hbm>>
    tpu.wait_indirect_dma semaphore(%arg9 : memref<!tpu.dma_semaphore, #tpu.memory_space<semaphore_mem>>) src(%dma_wait3A_36 : memref<8192x32xf32, #tpu.memory_space<hbm>>) dst(%dma_wait3A_30 : memref<128x32xf32, #tpu.memory_space<vmem>>)
    %dma_wait3A_37 = arith.constant 1 : i32
    %dma_wait3A_38 = arith.constant 1 : i32
    %dma_wait3A_39 = arith.constant 0 : i32
    %dma_wait3A_40 = arith.constant 0 : i32
    %dma_wait3A_41 = tpu.memref_slice %arg7[%dma_wait3A_38, %dma_wait3A_39, %dma_wait3A_40] : memref<2x128x32xf32, #tpu.memory_space<vmem>> -> memref<1x128x32xf32, #tpu.memory_space<vmem>>
    %dma_wait3A_42 = tpu.memref_squeeze %dma_wait3A_41 : memref<1x128x32xf32, #tpu.memory_space<vmem>> -> memref<128x32xf32, #tpu.memory_space<vmem>>
    %dma_wait3A_43 = arith.constant 0 : i32
    %dma_wait3A_44 = tpu.memref_slice %arg6[%dma_wait3A_37, %dma_wait3A_43] : memref<2x128xi32, #tpu.memory_space<vmem>> -> memref<1x128xi32, #tpu.memory_space<vmem>>
    %dma_wait3A_45 = tpu.memref_squeeze %dma_wait3A_44 : memref<1x128xi32, #tpu.memory_space<vmem>> -> memref<128xi32, #tpu.memory_space<vmem>>
    %dma_wait3A_46 = arith.constant 0 : i32
    %dma_wait3A_47 = arith.constant 0 : i32
    %dma_wait3A_48 = tpu.memref_slice %arg2[%dma_wait3A_46, %dma_wait3A_47] : memref<8192x32xf32, #tpu.memory_space<hbm>> -> memref<8192x32xf32, #tpu.memory_space<hbm>>
    tpu.wait_indirect_dma semaphore(%arg9 : memref<!tpu.dma_semaphore, #tpu.memory_space<semaphore_mem>>) src(%dma_wait3A_48 : memref<8192x32xf32, #tpu.memory_space<hbm>>) dst(%dma_wait3A_42 : memref<128x32xf32, #tpu.memory_space<vmem>>)
    %scan3A = arith.constant 0 : i32
    %scan3A_49 = arith.constant 0 : i32
    %scan3A_50 = arith.constant 128 : i32
    %scan3A_51 = arith.addi %scan3A_49, %scan3A_50 : i32
    %scan3A_52 = arith.constant 1 : i32
    %scan3A_53 = scf.for %scan3A_55 = %scan3A_49 to %scan3A_51 step %scan3A_52 iter_args(%scan3A_56 = %scan3A) -> (i32)  : i32 {
      %get3A = arith.constant 0 : i32
      %get3A_57 = arith.index_cast %get3A : i32 to index
      %get3A_58 = arith.index_cast %scan3A_55 : i32 to index
      %get3A_59 = arith.constant 0 : index
      %get3A_60 = tpu.vector_load %arg8[%get3A_57, %get3A_58, %get3A_59] {strides = array<i32>} : memref<2x128x32xf32, #tpu.memory_space<vmem>>, vector<1x1x16xf32>,
      %get3A_61 = vector.shape_cast %get3A_60 : vector<1x1x16xf32> to vector<16xf32>
      %get3A_62 = arith.constant 0 : i32
      %get3A_63 = arith.index_cast %get3A_62 : i32 to index
      %get3A_64 = arith.index_cast %scan3A_55 : i32 to index
      %get3A_65 = arith.constant 0 : index
      %get3A_66 = tpu.vector_load %arg7[%get3A_63, %get3A_64, %get3A_65] {strides = array<i32>} : memref<2x128x32xf32, #tpu.memory_space<vmem>>, vector<1x1x16xf32>,
      %get3A_67 = vector.shape_cast %get3A_66 : vector<1x1x16xf32> to vector<16xf32>
      %sub3A = arith.subf %get3A_67, %get3A_61 : vector<16xf32>
      %add3A_68 = arith.addf %get3A_61, %sub3A : vector<16xf32>
      %swap3A = arith.constant 0 : i32
      %swap3A_69 = arith.index_cast %swap3A : i32 to index
      %swap3A_70 = arith.index_cast %scan3A_55 : i32 to index
      %swap3A_71 = arith.constant 0 : index
      %swap3A_72 = tpu.vector_load %arg7[%swap3A_69, %swap3A_70, %swap3A_71] {strides = array<i32>} : memref<2x128x32xf32, #tpu.memory_space<vmem>>, vector<1x1x16xf32>,
      %swap3A_73 = vector.shape_cast %swap3A_72 : vector<1x1x16xf32> to vector<16xf32>
      %swap3A_74 = vector.shape_cast %add3A_68 : vector<16xf32> to vector<1x1x16xf32>
      tpu.vector_store %arg7[%swap3A_69, %swap3A_70, %swap3A_71], %swap3A_74 {strides = array<i32>} : memref<2x128x32xf32, #tpu.memory_space<vmem>>, vector<1x1x16xf32>,
      %get3A_75 = arith.constant 0 : i32
      %get3A_76 = arith.index_cast %get3A_75 : i32 to index
      %get3A_77 = arith.index_cast %scan3A_55 : i32 to index
      %get3A_78 = arith.constant 16 : index
      %get3A_79 = tpu.vector_load %arg8[%get3A_76, %get3A_77, %get3A_78] {strides = array<i32>} : memref<2x128x32xf32, #tpu.memory_space<vmem>>, vector<1x1x16xf32>,
      %get3A_80 = vector.shape_cast %get3A_79 : vector<1x1x16xf32> to vector<16xf32>
      %get3A_81 = arith.constant 0 : i32
      %get3A_82 = arith.index_cast %get3A_81 : i32 to index
      %get3A_83 = arith.index_cast %scan3A_55 : i32 to index
      %get3A_84 = arith.constant 16 : index
      %get3A_85 = tpu.vector_load %arg7[%get3A_82, %get3A_83, %get3A_84] {strides = array<i32>} : memref<2x128x32xf32, #tpu.memory_space<vmem>>, vector<1x1x16xf32>,
      %get3A_86 = vector.shape_cast %get3A_85 : vector<1x1x16xf32> to vector<16xf32>
      %sub3A_87 = arith.subf %get3A_86, %get3A_80 : vector<16xf32>
      %add3A_88 = arith.addf %get3A_80, %sub3A_87 : vector<16xf32>
      %swap3A_89 = arith.constant 0 : i32
      %swap3A_90 = arith.index_cast %swap3A_89 : i32 to index
      %swap3A_91 = arith.index_cast %scan3A_55 : i32 to index
      %swap3A_92 = arith.constant 16 : index
      %swap3A_93 = tpu.vector_load %arg7[%swap3A_90, %swap3A_91, %swap3A_92] {strides = array<i32>} : memref<2x128x32xf32, #tpu.memory_space<vmem>>, vector<1x1x16xf32>,
      %swap3A_94 = vector.shape_cast %swap3A_93 : vector<1x1x16xf32> to vector<16xf32>
      %swap3A_95 = vector.shape_cast %add3A_88 : vector<16xf32> to vector<1x1x16xf32>
      tpu.vector_store %arg7[%swap3A_90, %swap3A_91, %swap3A_92], %swap3A_95 {strides = array<i32>} : memref<2x128x32xf32, #tpu.memory_space<vmem>>, vector<1x1x16xf32>,
      %get3A_96 = arith.constant 1 : i32
      %get3A_97 = arith.index_cast %get3A_96 : i32 to index
      %get3A_98 = arith.index_cast %scan3A_55 : i32 to index
      %get3A_99 = arith.constant 0 : index
      %get3A_100 = tpu.vector_load %arg8[%get3A_97, %get3A_98, %get3A_99] {strides = array<i32>} : memref<2x128x32xf32, #tpu.memory_space<vmem>>, vector<1x1x16xf32>,
      %get3A_101 = vector.shape_cast %get3A_100 : vector<1x1x16xf32> to vector<16xf32>
      %get3A_102 = arith.constant 1 : i32
      %get3A_103 = arith.index_cast %get3A_102 : i32 to index
      %get3A_104 = arith.index_cast %scan3A_55 : i32 to index
      %get3A_105 = arith.constant 0 : index
      %get3A_106 = tpu.vector_load %arg7[%get3A_103, %get3A_104, %get3A_105] {strides = array<i32>} : memref<2x128x32xf32, #tpu.memory_space<vmem>>, vector<1x1x16xf32>,
      %get3A_107 = vector.shape_cast %get3A_106 : vector<1x1x16xf32> to vector<16xf32>
      %sub3A_108 = arith.subf %get3A_107, %get3A_101 : vector<16xf32>
      %add3A_109 = arith.addf %get3A_101, %sub3A_108 : vector<16xf32>
      %swap3A_110 = arith.constant 1 : i32
      %swap3A_111 = arith.index_cast %swap3A_110 : i32 to index
      %swap3A_112 = arith.index_cast %scan3A_55 : i32 to index
      %swap3A_113 = arith.constant 0 : index
      %swap3A_114 = tpu.vector_load %arg7[%swap3A_111, %swap3A_112, %swap3A_113] {strides = array<i32>} : memref<2x128x32xf32, #tpu.memory_space<vmem>>, vector<1x1x16xf32>,
      %swap3A_115 = vector.shape_cast %swap3A_114 : vector<1x1x16xf32> to vector<16xf32>
      %swap3A_116 = vector.shape_cast %add3A_109 : vector<16xf32> to vector<1x1x16xf32>
      tpu.vector_store %arg7[%swap3A_111, %swap3A_112, %swap3A_113], %swap3A_116 {strides = array<i32>} : memref<2x128x32xf32, #tpu.memory_space<vmem>>, vector<1x1x16xf32>,
      %get3A_117 = arith.constant 1 : i32
      %get3A_118 = arith.index_cast %get3A_117 : i32 to index
      %get3A_119 = arith.index_cast %scan3A_55 : i32 to index
      %get3A_120 = arith.constant 16 : index
      %get3A_121 = tpu.vector_load %arg8[%get3A_118, %get3A_119, %get3A_120] {strides = array<i32>} : memref<2x128x32xf32, #tpu.memory_space<vmem>>, vector<1x1x16xf32>,
      %get3A_122 = vector.shape_cast %get3A_121 : vector<1x1x16xf32> to vector<16xf32>
      %get3A_123 = arith.constant 1 : i32
      %get3A_124 = arith.index_cast %get3A_123 : i32 to index
      %get3A_125 = arith.index_cast %scan3A_55 : i32 to index
      %get3A_126 = arith.constant 16 : index
      %get3A_127 = tpu.vector_load %arg7[%get3A_124, %get3A_125, %get3A_126] {strides = array<i32>} : memref<2x128x32xf32, #tpu.memory_space<vmem>>, vector<1x1x16xf32>,
      %get3A_128 = vector.shape_cast %get3A_127 : vector<1x1x16xf32> to vector<16xf32>
      %sub3A_129 = arith.subf %get3A_128, %get3A_122 : vector<16xf32>
      %add3A_130 = arith.addf %get3A_122, %sub3A_129 : vector<16xf32>
      %swap3A_131 = arith.constant 1 : i32
      %swap3A_132 = arith.index_cast %swap3A_131 : i32 to index
      %swap3A_133 = arith.index_cast %scan3A_55 : i32 to index
      %swap3A_134 = arith.constant 16 : index
      %swap3A_135 = tpu.vector_load %arg7[%swap3A_132, %swap3A_133, %swap3A_134] {strides = array<i32>} : memref<2x128x32xf32, #tpu.memory_space<vmem>>, vector<1x1x16xf32>,
      %swap3A_136 = vector.shape_cast %swap3A_135 : vector<1x1x16xf32> to vector<16xf32>
      %swap3A_137 = vector.shape_cast %add3A_130 : vector<16xf32> to vector<1x1x16xf32>
      tpu.vector_store %arg7[%swap3A_132, %swap3A_133, %swap3A_134], %swap3A_137 {strides = array<i32>} : memref<2x128x32xf32, #tpu.memory_space<vmem>>, vector<1x1x16xf32>,
      %scan3A_138 = arith.constant 0 : i32
      scf.yield %scan3A_138 : i32
    }
    %scan3A_54 = arith.constant 128 : i32
    "tpu.region"() ({
      %run_scoped3A = tpu.sem_alloc : memref<!tpu.dma_semaphore, #tpu.memory_space<semaphore_mem>>
      %dma_start3A_55 = arith.constant 0 : i32
      %dma_start3A_56 = arith.constant 0 : i32
      %dma_start3A_57 = tpu.memref_slice %arg5[%mul3A_2, %dma_start3A_55, %dma_start3A_56] : memref<64x128x32xf32, #tpu.memory_space<hbm>> -> memref<2x128x32xf32, #tpu.memory_space<hbm>>
      %dma_start3A_58 = arith.constant 0 : i32
      %dma_start3A_59 = arith.constant 0 : i32
      %dma_start3A_60 = tpu.memref_slice %arg5[%mul3A_2, %dma_start3A_58, %dma_start3A_59] : memref<64x128x32xf32, #tpu.memory_space<hbm>> -> memref<2x128x32xf32, #tpu.memory_space<hbm>>
      tpu.enqueue_dma source(%arg7 : memref<2x128x32xf32, #tpu.memory_space<vmem>>) target(%dma_start3A_60 : memref<2x128x32xf32, #tpu.memory_space<hbm>>) target_semaphore(%run_scoped3A : memref<!tpu.dma_semaphore, #tpu.memory_space<semaphore_mem>>)
      %dma_wait3A_61 = arith.constant 0 : i32
      %dma_wait3A_62 = arith.constant 0 : i32
      %dma_wait3A_63 = tpu.memref_slice %arg5[%mul3A_2, %dma_wait3A_61, %dma_wait3A_62] : memref<64x128x32xf32, #tpu.memory_space<hbm>> -> memref<2x128x32xf32, #tpu.memory_space<hbm>>
      %dma_wait3A_64 = arith.constant 0 : i32
      %dma_wait3A_65 = arith.constant 0 : i32
      %dma_wait3A_66 = tpu.memref_slice %arg5[%mul3A_2, %dma_wait3A_64, %dma_wait3A_65] : memref<64x128x32xf32, #tpu.memory_space<hbm>> -> memref<2x128x32xf32, #tpu.memory_space<hbm>>
      tpu.wait_dma2 semaphore(%run_scoped3A : memref<!tpu.dma_semaphore, #tpu.memory_space<semaphore_mem>>) src(%arg7 : memref<2x128x32xf32, #tpu.memory_space<vmem>>) dst(%dma_wait3A_66 : memref<2x128x32xf32, #tpu.memory_space<hbm>>)
      tpu.yield
    }) : () -> ()
    return
  }
}

module attributes {stable_mosaic.version = 14 : i64} {
  func.func @_argmin_body(%arg0: i32, %arg1: memref<512x32xbf16, #tpu.memory_space<vmem>>, %arg2: memref<512x1xf32, #tpu.memory_space<vmem>>, %arg3: memref<1x8192xf32, #tpu.memory_space<vmem>>, %arg4: memref<32x8192xbf16, #tpu.memory_space<vmem>>, %arg5: memref<32x8192xbf16, #tpu.memory_space<vmem>>, %arg6: memref<512x1xi32, #tpu.memory_space<vmem>>, %arg7: memref<1x1xf32, #tpu.memory_space<vmem>>) attributes {dimension_semantics = [#tpu.dimension_semantics<arbitrary>], iteration_bounds = array<i64: 16>, scalar_prefetch = 0 : i64, scratch_operands = 0 : i64, tpu.core_type = #tpu.core_type<tc>, window_params = [{transform_indices = @transform_0, window_bounds = array<i64: 512, 32>}, {transform_indices = @transform_1, window_bounds = array<i64: 512, 1>}, {pipeline_mode = #tpu.pipeline_mode<synchronous>, transform_indices = @transform_2, window_bounds = array<i64: 1, 8192>}, {pipeline_mode = #tpu.pipeline_mode<synchronous>, transform_indices = @transform_3, window_bounds = array<i64: 32, 8192>}, {pipeline_mode = #tpu.pipeline_mode<synchronous>, transform_indices = @transform_4, window_bounds = array<i64: 32, 8192>}, {transform_indices = @transform_5, window_bounds = array<i64: 512, 1>}, {pipeline_mode = #tpu.pipeline_mode<synchronous>, transform_indices = @transform_6, window_bounds = array<i64: 1, 1>}]} {
    %get3A = arith.constant 0 : index
    %get3A_0 = arith.constant 0 : index
    %get3A_1 = vector.load %arg1[%get3A, %get3A_0] : memref<512x32xbf16, #tpu.memory_space<vmem>>, vector<512x32xbf16>
    %get3A_2 = arith.constant 0 : index
    %get3A_3 = arith.constant 0 : index
    %get3A_4 = vector.load %arg2[%get3A_2, %get3A_3] : memref<512x1xf32, #tpu.memory_space<vmem>>, vector<512x1xf32>
    %get3A_5 = arith.constant 0 : index
    %get3A_6 = arith.constant 0 : index
    %get3A_7 = vector.load %arg4[%get3A_5, %get3A_6] : memref<32x8192xbf16, #tpu.memory_space<vmem>>, vector<32x1024xbf16>
    %get3A_8 = arith.constant 0 : index
    %get3A_9 = arith.constant 0 : index
    %get3A_10 = vector.load %arg5[%get3A_8, %get3A_9] : memref<32x8192xbf16, #tpu.memory_space<vmem>>, vector<32x1024xbf16>
    %get3A_11 = arith.constant 0 : index
    %get3A_12 = arith.constant 0 : index
    %get3A_13 = vector.load %arg3[%get3A_11, %get3A_12] : memref<1x8192xf32, #tpu.memory_space<vmem>>, vector<1x1024xf32>
    %dot_general3A = arith.constant dense<0.000000e+00> : vector<512x1024xf32>
    %dot_general3A_14 = tpu.matmul %get3A_1, %get3A_7, %dot_general3A {dimension_numbers = #tpu.dot_dimension_numbers<[1], [0], [0], [1], [0, 0, 1, 1], [], []>, transpose_lhs_hint = false} : vector<512x32xbf16>, vector<32x1024xbf16>, vector<512x1024xf32> -> vector<512x1024xf32>
    %dot_general3A_15 = arith.constant dense<0.000000e+00> : vector<512x1024xf32>
    %dot_general3A_16 = tpu.matmul %get3A_1, %get3A_10, %dot_general3A_15 {dimension_numbers = #tpu.dot_dimension_numbers<[1], [0], [0], [1], [0, 0, 1, 1], [], []>, transpose_lhs_hint = false} : vector<512x32xbf16>, vector<32x1024xbf16>, vector<512x1024xf32> -> vector<512x1024xf32>
    %add3A = arith.addf %dot_general3A_14, %dot_general3A_16 : vector<512x1024xf32>
    %add3A_17 = vector.broadcast %get3A_4 : vector<512x1xf32> to vector<512x1024xf32>
    %add3A_18 = vector.broadcast %get3A_13 : vector<1x1024xf32> to vector<512x1024xf32>
    %add3A_19 = arith.addf %add3A_17, %add3A_18 : vector<512x1024xf32>
    %sub3A = arith.subf %add3A_19, %add3A : vector<512x1024xf32>
    %reduce_min3A = arith.constant dense<0x7F800000> : vector<512xf32>
    %reduce_min3A_20 = vector.multi_reduction <minimumf>, %sub3A, %reduce_min3A [1] : vector<512x1024xf32> to vector<512xf32>
    %broadcast_in_dim3A = vector.shape_cast %reduce_min3A_20 : vector<512xf32> to vector<512x1xf32>
    %iota3A = tpu.iota {dimensions = array<i32: 1>} : vector<512x1024xi32>
    %eq3A = vector.broadcast %broadcast_in_dim3A : vector<512x1xf32> to vector<512x1024xf32>
    %eq3A_21 = arith.cmpf oeq, %sub3A, %eq3A : vector<512x1024xf32>
    %jit3A = arith.constant 1024 : i32
    %broadcast_in_dim3A_22 = vector.broadcast %jit3A : i32 to vector<512x1024xi32>
    %select_n3A = arith.select %eq3A_21, %iota3A, %broadcast_in_dim3A_22 : vector<512x1024xi1>, vector<512x1024xi32>
    %reduce_min3A_23 = arith.constant dense<2147483647> : vector<512xi32>
    %reduce_min3A_24 = vector.multi_reduction <minsi>, %select_n3A, %reduce_min3A_23 [1] : vector<512x1024xi32> to vector<512xi32>
    %broadcast_in_dim3A_25 = vector.shape_cast %reduce_min3A_24 : vector<512xi32> to vector<512x1xi32>
    %add3A_26 = arith.constant 0 : i32
    %add3A_27 = vector.broadcast %add3A_26 : i32 to vector<512x1xi32>
    %add3A_28 = arith.addi %broadcast_in_dim3A_25, %add3A_27 : vector<512x1xi32>
    %get3A_29 = arith.constant 0 : index
    %get3A_30 = arith.constant 1024 : index
    %get3A_31 = vector.load %arg4[%get3A_29, %get3A_30] : memref<32x8192xbf16, #tpu.memory_space<vmem>>, vector<32x1024xbf16>
    %get3A_32 = arith.constant 0 : index
    %get3A_33 = arith.constant 1024 : index
    %get3A_34 = vector.load %arg5[%get3A_32, %get3A_33] : memref<32x8192xbf16, #tpu.memory_space<vmem>>, vector<32x1024xbf16>
    %get3A_35 = arith.constant 0 : index
    %get3A_36 = arith.constant 1024 : index
    %get3A_37 = vector.load %arg3[%get3A_35, %get3A_36] : memref<1x8192xf32, #tpu.memory_space<vmem>>, vector<1x1024xf32>
    %dot_general3A_38 = arith.constant dense<0.000000e+00> : vector<512x1024xf32>
    %dot_general3A_39 = tpu.matmul %get3A_1, %get3A_31, %dot_general3A_38 {dimension_numbers = #tpu.dot_dimension_numbers<[1], [0], [0], [1], [0, 0, 1, 1], [], []>, transpose_lhs_hint = false} : vector<512x32xbf16>, vector<32x1024xbf16>, vector<512x1024xf32> -> vector<512x1024xf32>
    %dot_general3A_40 = arith.constant dense<0.000000e+00> : vector<512x1024xf32>
    %dot_general3A_41 = tpu.matmul %get3A_1, %get3A_34, %dot_general3A_40 {dimension_numbers = #tpu.dot_dimension_numbers<[1], [0], [0], [1], [0, 0, 1, 1], [], []>, transpose_lhs_hint = false} : vector<512x32xbf16>, vector<32x1024xbf16>, vector<512x1024xf32> -> vector<512x1024xf32>
    %add3A_42 = arith.addf %dot_general3A_39, %dot_general3A_41 : vector<512x1024xf32>
    %add3A_43 = vector.broadcast %get3A_4 : vector<512x1xf32> to vector<512x1024xf32>
    %add3A_44 = vector.broadcast %get3A_37 : vector<1x1024xf32> to vector<512x1024xf32>
    %add3A_45 = arith.addf %add3A_43, %add3A_44 : vector<512x1024xf32>
    %sub3A_46 = arith.subf %add3A_45, %add3A_42 : vector<512x1024xf32>
    %reduce_min3A_47 = arith.constant dense<0x7F800000> : vector<512xf32>
    %reduce_min3A_48 = vector.multi_reduction <minimumf>, %sub3A_46, %reduce_min3A_47 [1] : vector<512x1024xf32> to vector<512xf32>
    %broadcast_in_dim3A_49 = vector.shape_cast %reduce_min3A_48 : vector<512xf32> to vector<512x1xf32>
    %iota3A_50 = tpu.iota {dimensions = array<i32: 1>} : vector<512x1024xi32>
    %eq3A_51 = vector.broadcast %broadcast_in_dim3A_49 : vector<512x1xf32> to vector<512x1024xf32>
    %eq3A_52 = arith.cmpf oeq, %sub3A_46, %eq3A_51 : vector<512x1024xf32>
    %jit3A_53 = arith.constant 1024 : i32
    %broadcast_in_dim3A_54 = vector.broadcast %jit3A_53 : i32 to vector<512x1024xi32>
    %select_n3A_55 = arith.select %eq3A_52, %iota3A_50, %broadcast_in_dim3A_54 : vector<512x1024xi1>, vector<512x1024xi32>
    %reduce_min3A_56 = arith.constant dense<2147483647> : vector<512xi32>
    %reduce_min3A_57 = vector.multi_reduction <minsi>, %select_n3A_55, %reduce_min3A_56 [1] : vector<512x1024xi32> to vector<512xi32>
    %broadcast_in_dim3A_58 = vector.shape_cast %reduce_min3A_57 : vector<512xi32> to vector<512x1xi32>
    %add3A_59 = arith.constant 1024 : i32
    %add3A_60 = vector.broadcast %add3A_59 : i32 to vector<512x1xi32>
    %add3A_61 = arith.addi %broadcast_in_dim3A_58, %add3A_60 : vector<512x1xi32>
    %lt3A = arith.cmpf olt, %broadcast_in_dim3A_49, %broadcast_in_dim3A : vector<512x1xf32>
    %select_n3A_62 = arith.select %lt3A, %broadcast_in_dim3A_49, %broadcast_in_dim3A : vector<512x1xi1>, vector<512x1xf32>
    %select_n3A_63 = arith.select %lt3A, %add3A_61, %add3A_28 : vector<512x1xi1>, vector<512x1xi32>
    %get3A_64 = arith.constant 0 : index
    %get3A_65 = arith.constant 2048 : index
    %get3A_66 = vector.load %arg4[%get3A_64, %get3A_65] : memref<32x8192xbf16, #tpu.memory_space<vmem>>, vector<32x1024xbf16>
    %get3A_67 = arith.constant 0 : index
    %get3A_68 = arith.constant 2048 : index
    %get3A_69 = vector.load %arg5[%get3A_67, %get3A_68] : memref<32x8192xbf16, #tpu.memory_space<vmem>>, vector<32x1024xbf16>
    %get3A_70 = arith.constant 0 : index
    %get3A_71 = arith.constant 2048 : index
    %get3A_72 = vector.load %arg3[%get3A_70, %get3A_71] : memref<1x8192xf32, #tpu.memory_space<vmem>>, vector<1x1024xf32>
    %dot_general3A_73 = arith.constant dense<0.000000e+00> : vector<512x1024xf32>
    %dot_general3A_74 = tpu.matmul %get3A_1, %get3A_66, %dot_general3A_73 {dimension_numbers = #tpu.dot_dimension_numbers<[1], [0], [0], [1], [0, 0, 1, 1], [], []>, transpose_lhs_hint = false} : vector<512x32xbf16>, vector<32x1024xbf16>, vector<512x1024xf32> -> vector<512x1024xf32>
    %dot_general3A_75 = arith.constant dense<0.000000e+00> : vector<512x1024xf32>
    %dot_general3A_76 = tpu.matmul %get3A_1, %get3A_69, %dot_general3A_75 {dimension_numbers = #tpu.dot_dimension_numbers<[1], [0], [0], [1], [0, 0, 1, 1], [], []>, transpose_lhs_hint = false} : vector<512x32xbf16>, vector<32x1024xbf16>, vector<512x1024xf32> -> vector<512x1024xf32>
    %add3A_77 = arith.addf %dot_general3A_74, %dot_general3A_76 : vector<512x1024xf32>
    %add3A_78 = vector.broadcast %get3A_4 : vector<512x1xf32> to vector<512x1024xf32>
    %add3A_79 = vector.broadcast %get3A_72 : vector<1x1024xf32> to vector<512x1024xf32>
    %add3A_80 = arith.addf %add3A_78, %add3A_79 : vector<512x1024xf32>
    %sub3A_81 = arith.subf %add3A_80, %add3A_77 : vector<512x1024xf32>
    %reduce_min3A_82 = arith.constant dense<0x7F800000> : vector<512xf32>
    %reduce_min3A_83 = vector.multi_reduction <minimumf>, %sub3A_81, %reduce_min3A_82 [1] : vector<512x1024xf32> to vector<512xf32>
    %broadcast_in_dim3A_84 = vector.shape_cast %reduce_min3A_83 : vector<512xf32> to vector<512x1xf32>
    %iota3A_85 = tpu.iota {dimensions = array<i32: 1>} : vector<512x1024xi32>
    %eq3A_86 = vector.broadcast %broadcast_in_dim3A_84 : vector<512x1xf32> to vector<512x1024xf32>
    %eq3A_87 = arith.cmpf oeq, %sub3A_81, %eq3A_86 : vector<512x1024xf32>
    %jit3A_88 = arith.constant 1024 : i32
    %broadcast_in_dim3A_89 = vector.broadcast %jit3A_88 : i32 to vector<512x1024xi32>
    %select_n3A_90 = arith.select %eq3A_87, %iota3A_85, %broadcast_in_dim3A_89 : vector<512x1024xi1>, vector<512x1024xi32>
    %reduce_min3A_91 = arith.constant dense<2147483647> : vector<512xi32>
    %reduce_min3A_92 = vector.multi_reduction <minsi>, %select_n3A_90, %reduce_min3A_91 [1] : vector<512x1024xi32> to vector<512xi32>
    %broadcast_in_dim3A_93 = vector.shape_cast %reduce_min3A_92 : vector<512xi32> to vector<512x1xi32>
    %add3A_94 = arith.constant 2048 : i32
    %add3A_95 = vector.broadcast %add3A_94 : i32 to vector<512x1xi32>
    %add3A_96 = arith.addi %broadcast_in_dim3A_93, %add3A_95 : vector<512x1xi32>
    %get3A_97 = arith.constant 0 : index
    %get3A_98 = arith.constant 3072 : index
    %get3A_99 = vector.load %arg4[%get3A_97, %get3A_98] : memref<32x8192xbf16, #tpu.memory_space<vmem>>, vector<32x1024xbf16>
    %get3A_100 = arith.constant 0 : index
    %get3A_101 = arith.constant 3072 : index
    %get3A_102 = vector.load %arg5[%get3A_100, %get3A_101] : memref<32x8192xbf16, #tpu.memory_space<vmem>>, vector<32x1024xbf16>
    %get3A_103 = arith.constant 0 : index
    %get3A_104 = arith.constant 3072 : index
    %get3A_105 = vector.load %arg3[%get3A_103, %get3A_104] : memref<1x8192xf32, #tpu.memory_space<vmem>>, vector<1x1024xf32>
    %dot_general3A_106 = arith.constant dense<0.000000e+00> : vector<512x1024xf32>
    %dot_general3A_107 = tpu.matmul %get3A_1, %get3A_99, %dot_general3A_106 {dimension_numbers = #tpu.dot_dimension_numbers<[1], [0], [0], [1], [0, 0, 1, 1], [], []>, transpose_lhs_hint = false} : vector<512x32xbf16>, vector<32x1024xbf16>, vector<512x1024xf32> -> vector<512x1024xf32>
    %dot_general3A_108 = arith.constant dense<0.000000e+00> : vector<512x1024xf32>
    %dot_general3A_109 = tpu.matmul %get3A_1, %get3A_102, %dot_general3A_108 {dimension_numbers = #tpu.dot_dimension_numbers<[1], [0], [0], [1], [0, 0, 1, 1], [], []>, transpose_lhs_hint = false} : vector<512x32xbf16>, vector<32x1024xbf16>, vector<512x1024xf32> -> vector<512x1024xf32>
    %add3A_110 = arith.addf %dot_general3A_107, %dot_general3A_109 : vector<512x1024xf32>
    %add3A_111 = vector.broadcast %get3A_4 : vector<512x1xf32> to vector<512x1024xf32>
    %add3A_112 = vector.broadcast %get3A_105 : vector<1x1024xf32> to vector<512x1024xf32>
    %add3A_113 = arith.addf %add3A_111, %add3A_112 : vector<512x1024xf32>
    %sub3A_114 = arith.subf %add3A_113, %add3A_110 : vector<512x1024xf32>
    %reduce_min3A_115 = arith.constant dense<0x7F800000> : vector<512xf32>
    %reduce_min3A_116 = vector.multi_reduction <minimumf>, %sub3A_114, %reduce_min3A_115 [1] : vector<512x1024xf32> to vector<512xf32>
    %broadcast_in_dim3A_117 = vector.shape_cast %reduce_min3A_116 : vector<512xf32> to vector<512x1xf32>
    %iota3A_118 = tpu.iota {dimensions = array<i32: 1>} : vector<512x1024xi32>
    %eq3A_119 = vector.broadcast %broadcast_in_dim3A_117 : vector<512x1xf32> to vector<512x1024xf32>
    %eq3A_120 = arith.cmpf oeq, %sub3A_114, %eq3A_119 : vector<512x1024xf32>
    %jit3A_121 = arith.constant 1024 : i32
    %broadcast_in_dim3A_122 = vector.broadcast %jit3A_121 : i32 to vector<512x1024xi32>
    %select_n3A_123 = arith.select %eq3A_120, %iota3A_118, %broadcast_in_dim3A_122 : vector<512x1024xi1>, vector<512x1024xi32>
    %reduce_min3A_124 = arith.constant dense<2147483647> : vector<512xi32>
    %reduce_min3A_125 = vector.multi_reduction <minsi>, %select_n3A_123, %reduce_min3A_124 [1] : vector<512x1024xi32> to vector<512xi32>
    %broadcast_in_dim3A_126 = vector.shape_cast %reduce_min3A_125 : vector<512xi32> to vector<512x1xi32>
    %add3A_127 = arith.constant 3072 : i32
    %add3A_128 = vector.broadcast %add3A_127 : i32 to vector<512x1xi32>
    %add3A_129 = arith.addi %broadcast_in_dim3A_126, %add3A_128 : vector<512x1xi32>
    %lt3A_130 = arith.cmpf olt, %broadcast_in_dim3A_117, %broadcast_in_dim3A_84 : vector<512x1xf32>
    %select_n3A_131 = arith.select %lt3A_130, %broadcast_in_dim3A_117, %broadcast_in_dim3A_84 : vector<512x1xi1>, vector<512x1xf32>
    %select_n3A_132 = arith.select %lt3A_130, %add3A_129, %add3A_96 : vector<512x1xi1>, vector<512x1xi32>
    %convert_element_type3A = arith.truncf %select_n3A_62 : vector<512x1xf32> to vector<512x1xbf16>
    %convert_element_type3A_133 = arith.extf %convert_element_type3A : vector<512x1xbf16> to vector<512x1xf32>
    %le3A = arith.cmpf ole, %convert_element_type3A_133, %select_n3A_131 : vector<512x1xf32>
    %select_n3A_134 = arith.select %le3A, %select_n3A_62, %select_n3A_131 : vector<512x1xi1>, vector<512x1xf32>
    %select_n3A_135 = arith.select %le3A, %select_n3A_63, %select_n3A_132 : vector<512x1xi1>, vector<512x1xi32>
    %get3A_136 = arith.constant 0 : index
    %get3A_137 = arith.constant 4096 : index
    %get3A_138 = vector.load %arg4[%get3A_136, %get3A_137] : memref<32x8192xbf16, #tpu.memory_space<vmem>>, vector<32x1024xbf16>
    %get3A_139 = arith.constant 0 : index
    %get3A_140 = arith.constant 4096 : index
    %get3A_141 = vector.load %arg5[%get3A_139, %get3A_140] : memref<32x8192xbf16, #tpu.memory_space<vmem>>, vector<32x1024xbf16>
    %get3A_142 = arith.constant 0 : index
    %get3A_143 = arith.constant 4096 : index
    %get3A_144 = vector.load %arg3[%get3A_142, %get3A_143] : memref<1x8192xf32, #tpu.memory_space<vmem>>, vector<1x1024xf32>
    %dot_general3A_145 = arith.constant dense<0.000000e+00> : vector<512x1024xf32>
    %dot_general3A_146 = tpu.matmul %get3A_1, %get3A_138, %dot_general3A_145 {dimension_numbers = #tpu.dot_dimension_numbers<[1], [0], [0], [1], [0, 0, 1, 1], [], []>, transpose_lhs_hint = false} : vector<512x32xbf16>, vector<32x1024xbf16>, vector<512x1024xf32> -> vector<512x1024xf32>
    %dot_general3A_147 = arith.constant dense<0.000000e+00> : vector<512x1024xf32>
    %dot_general3A_148 = tpu.matmul %get3A_1, %get3A_141, %dot_general3A_147 {dimension_numbers = #tpu.dot_dimension_numbers<[1], [0], [0], [1], [0, 0, 1, 1], [], []>, transpose_lhs_hint = false} : vector<512x32xbf16>, vector<32x1024xbf16>, vector<512x1024xf32> -> vector<512x1024xf32>
    %add3A_149 = arith.addf %dot_general3A_146, %dot_general3A_148 : vector<512x1024xf32>
    %add3A_150 = vector.broadcast %get3A_4 : vector<512x1xf32> to vector<512x1024xf32>
    %add3A_151 = vector.broadcast %get3A_144 : vector<1x1024xf32> to vector<512x1024xf32>
    %add3A_152 = arith.addf %add3A_150, %add3A_151 : vector<512x1024xf32>
    %sub3A_153 = arith.subf %add3A_152, %add3A_149 : vector<512x1024xf32>
    %reduce_min3A_154 = arith.constant dense<0x7F800000> : vector<512xf32>
    %reduce_min3A_155 = vector.multi_reduction <minimumf>, %sub3A_153, %reduce_min3A_154 [1] : vector<512x1024xf32> to vector<512xf32>
    %broadcast_in_dim3A_156 = vector.shape_cast %reduce_min3A_155 : vector<512xf32> to vector<512x1xf32>
    %iota3A_157 = tpu.iota {dimensions = array<i32: 1>} : vector<512x1024xi32>
    %eq3A_158 = vector.broadcast %broadcast_in_dim3A_156 : vector<512x1xf32> to vector<512x1024xf32>
    %eq3A_159 = arith.cmpf oeq, %sub3A_153, %eq3A_158 : vector<512x1024xf32>
    %jit3A_160 = arith.constant 1024 : i32
    %broadcast_in_dim3A_161 = vector.broadcast %jit3A_160 : i32 to vector<512x1024xi32>
    %select_n3A_162 = arith.select %eq3A_159, %iota3A_157, %broadcast_in_dim3A_161 : vector<512x1024xi1>, vector<512x1024xi32>
    %reduce_min3A_163 = arith.constant dense<2147483647> : vector<512xi32>
    %reduce_min3A_164 = vector.multi_reduction <minsi>, %select_n3A_162, %reduce_min3A_163 [1] : vector<512x1024xi32> to vector<512xi32>
    %broadcast_in_dim3A_165 = vector.shape_cast %reduce_min3A_164 : vector<512xi32> to vector<512x1xi32>
    %add3A_166 = arith.constant 4096 : i32
    %add3A_167 = vector.broadcast %add3A_166 : i32 to vector<512x1xi32>
    %add3A_168 = arith.addi %broadcast_in_dim3A_165, %add3A_167 : vector<512x1xi32>
    %get3A_169 = arith.constant 0 : index
    %get3A_170 = arith.constant 5120 : index
    %get3A_171 = vector.load %arg4[%get3A_169, %get3A_170] : memref<32x8192xbf16, #tpu.memory_space<vmem>>, vector<32x1024xbf16>
    %get3A_172 = arith.constant 0 : index
    %get3A_173 = arith.constant 5120 : index
    %get3A_174 = vector.load %arg5[%get3A_172, %get3A_173] : memref<32x8192xbf16, #tpu.memory_space<vmem>>, vector<32x1024xbf16>
    %get3A_175 = arith.constant 0 : index
    %get3A_176 = arith.constant 5120 : index
    %get3A_177 = vector.load %arg3[%get3A_175, %get3A_176] : memref<1x8192xf32, #tpu.memory_space<vmem>>, vector<1x1024xf32>
    %dot_general3A_178 = arith.constant dense<0.000000e+00> : vector<512x1024xf32>
    %dot_general3A_179 = tpu.matmul %get3A_1, %get3A_171, %dot_general3A_178 {dimension_numbers = #tpu.dot_dimension_numbers<[1], [0], [0], [1], [0, 0, 1, 1], [], []>, transpose_lhs_hint = false} : vector<512x32xbf16>, vector<32x1024xbf16>, vector<512x1024xf32> -> vector<512x1024xf32>
    %dot_general3A_180 = arith.constant dense<0.000000e+00> : vector<512x1024xf32>
    %dot_general3A_181 = tpu.matmul %get3A_1, %get3A_174, %dot_general3A_180 {dimension_numbers = #tpu.dot_dimension_numbers<[1], [0], [0], [1], [0, 0, 1, 1], [], []>, transpose_lhs_hint = false} : vector<512x32xbf16>, vector<32x1024xbf16>, vector<512x1024xf32> -> vector<512x1024xf32>
    %add3A_182 = arith.addf %dot_general3A_179, %dot_general3A_181 : vector<512x1024xf32>
    %add3A_183 = vector.broadcast %get3A_4 : vector<512x1xf32> to vector<512x1024xf32>
    %add3A_184 = vector.broadcast %get3A_177 : vector<1x1024xf32> to vector<512x1024xf32>
    %add3A_185 = arith.addf %add3A_183, %add3A_184 : vector<512x1024xf32>
    %sub3A_186 = arith.subf %add3A_185, %add3A_182 : vector<512x1024xf32>
    %reduce_min3A_187 = arith.constant dense<0x7F800000> : vector<512xf32>
    %reduce_min3A_188 = vector.multi_reduction <minimumf>, %sub3A_186, %reduce_min3A_187 [1] : vector<512x1024xf32> to vector<512xf32>
    %broadcast_in_dim3A_189 = vector.shape_cast %reduce_min3A_188 : vector<512xf32> to vector<512x1xf32>
    %iota3A_190 = tpu.iota {dimensions = array<i32: 1>} : vector<512x1024xi32>
    %eq3A_191 = vector.broadcast %broadcast_in_dim3A_189 : vector<512x1xf32> to vector<512x1024xf32>
    %eq3A_192 = arith.cmpf oeq, %sub3A_186, %eq3A_191 : vector<512x1024xf32>
    %jit3A_193 = arith.constant 1024 : i32
    %broadcast_in_dim3A_194 = vector.broadcast %jit3A_193 : i32 to vector<512x1024xi32>
    %select_n3A_195 = arith.select %eq3A_192, %iota3A_190, %broadcast_in_dim3A_194 : vector<512x1024xi1>, vector<512x1024xi32>
    %reduce_min3A_196 = arith.constant dense<2147483647> : vector<512xi32>
    %reduce_min3A_197 = vector.multi_reduction <minsi>, %select_n3A_195, %reduce_min3A_196 [1] : vector<512x1024xi32> to vector<512xi32>
    %broadcast_in_dim3A_198 = vector.shape_cast %reduce_min3A_197 : vector<512xi32> to vector<512x1xi32>
    %add3A_199 = arith.constant 5120 : i32
    %add3A_200 = vector.broadcast %add3A_199 : i32 to vector<512x1xi32>
    %add3A_201 = arith.addi %broadcast_in_dim3A_198, %add3A_200 : vector<512x1xi32>
    %lt3A_202 = arith.cmpf olt, %broadcast_in_dim3A_189, %broadcast_in_dim3A_156 : vector<512x1xf32>
    %select_n3A_203 = arith.select %lt3A_202, %broadcast_in_dim3A_189, %broadcast_in_dim3A_156 : vector<512x1xi1>, vector<512x1xf32>
    %select_n3A_204 = arith.select %lt3A_202, %add3A_201, %add3A_168 : vector<512x1xi1>, vector<512x1xi32>
    %convert_element_type3A_205 = arith.truncf %select_n3A_134 : vector<512x1xf32> to vector<512x1xbf16>
    %convert_element_type3A_206 = arith.extf %convert_element_type3A_205 : vector<512x1xbf16> to vector<512x1xf32>
    %le3A_207 = arith.cmpf ole, %convert_element_type3A_206, %select_n3A_203 : vector<512x1xf32>
    %select_n3A_208 = arith.select %le3A_207, %select_n3A_134, %select_n3A_203 : vector<512x1xi1>, vector<512x1xf32>
    %select_n3A_209 = arith.select %le3A_207, %select_n3A_135, %select_n3A_204 : vector<512x1xi1>, vector<512x1xi32>
    %get3A_210 = arith.constant 0 : index
    %get3A_211 = arith.constant 6144 : index
    %get3A_212 = vector.load %arg4[%get3A_210, %get3A_211] : memref<32x8192xbf16, #tpu.memory_space<vmem>>, vector<32x1024xbf16>
    %get3A_213 = arith.constant 0 : index
    %get3A_214 = arith.constant 6144 : index
    %get3A_215 = vector.load %arg5[%get3A_213, %get3A_214] : memref<32x8192xbf16, #tpu.memory_space<vmem>>, vector<32x1024xbf16>
    %get3A_216 = arith.constant 0 : index
    %get3A_217 = arith.constant 6144 : index
    %get3A_218 = vector.load %arg3[%get3A_216, %get3A_217] : memref<1x8192xf32, #tpu.memory_space<vmem>>, vector<1x1024xf32>
    %dot_general3A_219 = arith.constant dense<0.000000e+00> : vector<512x1024xf32>
    %dot_general3A_220 = tpu.matmul %get3A_1, %get3A_212, %dot_general3A_219 {dimension_numbers = #tpu.dot_dimension_numbers<[1], [0], [0], [1], [0, 0, 1, 1], [], []>, transpose_lhs_hint = false} : vector<512x32xbf16>, vector<32x1024xbf16>, vector<512x1024xf32> -> vector<512x1024xf32>
    %dot_general3A_221 = arith.constant dense<0.000000e+00> : vector<512x1024xf32>
    %dot_general3A_222 = tpu.matmul %get3A_1, %get3A_215, %dot_general3A_221 {dimension_numbers = #tpu.dot_dimension_numbers<[1], [0], [0], [1], [0, 0, 1, 1], [], []>, transpose_lhs_hint = false} : vector<512x32xbf16>, vector<32x1024xbf16>, vector<512x1024xf32> -> vector<512x1024xf32>
    %add3A_223 = arith.addf %dot_general3A_220, %dot_general3A_222 : vector<512x1024xf32>
    %add3A_224 = vector.broadcast %get3A_4 : vector<512x1xf32> to vector<512x1024xf32>
    %add3A_225 = vector.broadcast %get3A_218 : vector<1x1024xf32> to vector<512x1024xf32>
    %add3A_226 = arith.addf %add3A_224, %add3A_225 : vector<512x1024xf32>
    %sub3A_227 = arith.subf %add3A_226, %add3A_223 : vector<512x1024xf32>
    %reduce_min3A_228 = arith.constant dense<0x7F800000> : vector<512xf32>
    %reduce_min3A_229 = vector.multi_reduction <minimumf>, %sub3A_227, %reduce_min3A_228 [1] : vector<512x1024xf32> to vector<512xf32>
    %broadcast_in_dim3A_230 = vector.shape_cast %reduce_min3A_229 : vector<512xf32> to vector<512x1xf32>
    %iota3A_231 = tpu.iota {dimensions = array<i32: 1>} : vector<512x1024xi32>
    %eq3A_232 = vector.broadcast %broadcast_in_dim3A_230 : vector<512x1xf32> to vector<512x1024xf32>
    %eq3A_233 = arith.cmpf oeq, %sub3A_227, %eq3A_232 : vector<512x1024xf32>
    %jit3A_234 = arith.constant 1024 : i32
    %broadcast_in_dim3A_235 = vector.broadcast %jit3A_234 : i32 to vector<512x1024xi32>
    %select_n3A_236 = arith.select %eq3A_233, %iota3A_231, %broadcast_in_dim3A_235 : vector<512x1024xi1>, vector<512x1024xi32>
    %reduce_min3A_237 = arith.constant dense<2147483647> : vector<512xi32>
    %reduce_min3A_238 = vector.multi_reduction <minsi>, %select_n3A_236, %reduce_min3A_237 [1] : vector<512x1024xi32> to vector<512xi32>
    %broadcast_in_dim3A_239 = vector.shape_cast %reduce_min3A_238 : vector<512xi32> to vector<512x1xi32>
    %add3A_240 = arith.constant 6144 : i32
    %add3A_241 = vector.broadcast %add3A_240 : i32 to vector<512x1xi32>
    %add3A_242 = arith.addi %broadcast_in_dim3A_239, %add3A_241 : vector<512x1xi32>
    %get3A_243 = arith.constant 0 : index
    %get3A_244 = arith.constant 7168 : index
    %get3A_245 = vector.load %arg4[%get3A_243, %get3A_244] : memref<32x8192xbf16, #tpu.memory_space<vmem>>, vector<32x1024xbf16>
    %get3A_246 = arith.constant 0 : index
    %get3A_247 = arith.constant 7168 : index
    %get3A_248 = vector.load %arg5[%get3A_246, %get3A_247] : memref<32x8192xbf16, #tpu.memory_space<vmem>>, vector<32x1024xbf16>
    %get3A_249 = arith.constant 0 : index
    %get3A_250 = arith.constant 7168 : index
    %get3A_251 = vector.load %arg3[%get3A_249, %get3A_250] : memref<1x8192xf32, #tpu.memory_space<vmem>>, vector<1x1024xf32>
    %dot_general3A_252 = arith.constant dense<0.000000e+00> : vector<512x1024xf32>
    %dot_general3A_253 = tpu.matmul %get3A_1, %get3A_245, %dot_general3A_252 {dimension_numbers = #tpu.dot_dimension_numbers<[1], [0], [0], [1], [0, 0, 1, 1], [], []>, transpose_lhs_hint = false} : vector<512x32xbf16>, vector<32x1024xbf16>, vector<512x1024xf32> -> vector<512x1024xf32>
    %dot_general3A_254 = arith.constant dense<0.000000e+00> : vector<512x1024xf32>
    %dot_general3A_255 = tpu.matmul %get3A_1, %get3A_248, %dot_general3A_254 {dimension_numbers = #tpu.dot_dimension_numbers<[1], [0], [0], [1], [0, 0, 1, 1], [], []>, transpose_lhs_hint = false} : vector<512x32xbf16>, vector<32x1024xbf16>, vector<512x1024xf32> -> vector<512x1024xf32>
    %add3A_256 = arith.addf %dot_general3A_253, %dot_general3A_255 : vector<512x1024xf32>
    %add3A_257 = vector.broadcast %get3A_4 : vector<512x1xf32> to vector<512x1024xf32>
    %add3A_258 = vector.broadcast %get3A_251 : vector<1x1024xf32> to vector<512x1024xf32>
    %add3A_259 = arith.addf %add3A_257, %add3A_258 : vector<512x1024xf32>
    %sub3A_260 = arith.subf %add3A_259, %add3A_256 : vector<512x1024xf32>
    %reduce_min3A_261 = arith.constant dense<0x7F800000> : vector<512xf32>
    %reduce_min3A_262 = vector.multi_reduction <minimumf>, %sub3A_260, %reduce_min3A_261 [1] : vector<512x1024xf32> to vector<512xf32>
    %broadcast_in_dim3A_263 = vector.shape_cast %reduce_min3A_262 : vector<512xf32> to vector<512x1xf32>
    %iota3A_264 = tpu.iota {dimensions = array<i32: 1>} : vector<512x1024xi32>
    %eq3A_265 = vector.broadcast %broadcast_in_dim3A_263 : vector<512x1xf32> to vector<512x1024xf32>
    %eq3A_266 = arith.cmpf oeq, %sub3A_260, %eq3A_265 : vector<512x1024xf32>
    %jit3A_267 = arith.constant 1024 : i32
    %broadcast_in_dim3A_268 = vector.broadcast %jit3A_267 : i32 to vector<512x1024xi32>
    %select_n3A_269 = arith.select %eq3A_266, %iota3A_264, %broadcast_in_dim3A_268 : vector<512x1024xi1>, vector<512x1024xi32>
    %reduce_min3A_270 = arith.constant dense<2147483647> : vector<512xi32>
    %reduce_min3A_271 = vector.multi_reduction <minsi>, %select_n3A_269, %reduce_min3A_270 [1] : vector<512x1024xi32> to vector<512xi32>
    %broadcast_in_dim3A_272 = vector.shape_cast %reduce_min3A_271 : vector<512xi32> to vector<512x1xi32>
    %add3A_273 = arith.constant 7168 : i32
    %add3A_274 = vector.broadcast %add3A_273 : i32 to vector<512x1xi32>
    %add3A_275 = arith.addi %broadcast_in_dim3A_272, %add3A_274 : vector<512x1xi32>
    %lt3A_276 = arith.cmpf olt, %broadcast_in_dim3A_263, %broadcast_in_dim3A_230 : vector<512x1xf32>
    %select_n3A_277 = arith.select %lt3A_276, %broadcast_in_dim3A_263, %broadcast_in_dim3A_230 : vector<512x1xi1>, vector<512x1xf32>
    %select_n3A_278 = arith.select %lt3A_276, %add3A_275, %add3A_242 : vector<512x1xi1>, vector<512x1xi32>
    %convert_element_type3A_279 = arith.truncf %select_n3A_208 : vector<512x1xf32> to vector<512x1xbf16>
    %convert_element_type3A_280 = arith.extf %convert_element_type3A_279 : vector<512x1xbf16> to vector<512x1xf32>
    %le3A_281 = arith.cmpf ole, %convert_element_type3A_280, %select_n3A_277 : vector<512x1xf32>
    %select_n3A_282 = arith.select %le3A_281, %select_n3A_208, %select_n3A_277 : vector<512x1xi1>, vector<512x1xf32>
    %select_n3A_283 = arith.select %le3A_281, %select_n3A_209, %select_n3A_278 : vector<512x1xi1>, vector<512x1xi32>
    %swap3A = arith.constant 0 : index
    %swap3A_284 = arith.constant 0 : index
    %swap3A_285 = vector.load %arg6[%swap3A, %swap3A_284] : memref<512x1xi32, #tpu.memory_space<vmem>>, vector<512x1xi32>
    tpu.vector_store %arg6[%swap3A, %swap3A_284], %select_n3A_283 {strides = array<i32>} : memref<512x1xi32, #tpu.memory_space<vmem>>, vector<512x1xi32>,
    %eq3A_286 = arith.constant 0 : i32
    %eq3A_287 = arith.cmpi eq, %arg0, %eq3A_286 : i32
    %convert_element_type3A_288 = arith.extui %eq3A_287 : i1 to i32
    %cond3A = arith.constant 0 : i32
    %cond3A_289 = arith.cmpi ne, %convert_element_type3A_288, %cond3A : i32
    scf.if %cond3A_289 {
      %broadcast_in_dim3A_302 = arith.constant 0.000000e+00 : f32
      %broadcast_in_dim3A_303 = vector.broadcast %broadcast_in_dim3A_302 : f32 to vector<1x1xf32>
      %swap3A_304 = arith.constant 0 : index
      %swap3A_305 = arith.constant 0 : index
      %swap3A_306 = vector.load %arg7[%swap3A_304, %swap3A_305] : memref<1x1xf32, #tpu.memory_space<vmem>>, vector<1x1xf32>
      tpu.vector_store %arg7[%swap3A_304, %swap3A_305], %broadcast_in_dim3A_303 {strides = array<i32>} : memref<1x1xf32, #tpu.memory_space<vmem>>, vector<1x1xf32>,
    } else {
    }
    %get3A_290 = arith.constant 0 : index
    %get3A_291 = arith.constant 0 : index
    %get3A_292 = vector.load %arg7[%get3A_290, %get3A_291] : memref<1x1xf32, #tpu.memory_space<vmem>>, vector<1x1xf32>
    %reduce_sum3A = vector.shape_cast %select_n3A_282 : vector<512x1xf32> to vector<1x512x1xf32>
    %reduce_sum3A_293 = arith.constant dense<0.000000e+00> : vector<1xf32>
    %reduce_sum3A_294 = vector.multi_reduction <add>, %reduce_sum3A, %reduce_sum3A_293 [1, 2] : vector<1x512x1xf32> to vector<1xf32>
    %reduce_sum3A_295 = vector.shape_cast %reduce_sum3A_294 : vector<1xf32> to vector<1x1x1xf32>
    %reduce_sum3A_296 = vector.extract %reduce_sum3A_295[0, 0, 0] : f32 from vector<1x1x1xf32>
    %add3A_297 = vector.broadcast %reduce_sum3A_296 : f32 to vector<1x1xf32>
    %add3A_298 = arith.addf %get3A_292, %add3A_297 : vector<1x1xf32>
    %swap3A_299 = arith.constant 0 : index
    %swap3A_300 = arith.constant 0 : index
    %swap3A_301 = vector.load %arg7[%swap3A_299, %swap3A_300] : memref<1x1xf32, #tpu.memory_space<vmem>>, vector<1x1xf32>
    tpu.vector_store %arg7[%swap3A_299, %swap3A_300], %add3A_298 {strides = array<i32>} : memref<1x1xf32, #tpu.memory_space<vmem>>, vector<1x1xf32>,
    return
  }
  func.func @transform_0(%arg0: i32) -> (i32, i32) {
    %c0_i32 = arith.constant 0 : i32
    %c0_i32_0 = arith.constant 0 : i32
    return %arg0, %c0_i32 : i32, i32
  }
  func.func @transform_1(%arg0: i32) -> (i32, i32) {
    %c0_i32 = arith.constant 0 : i32
    %c0_i32_0 = arith.constant 0 : i32
    return %arg0, %c0_i32 : i32, i32
  }
  func.func @transform_2(%arg0: i32) -> (i32, i32) {
    %c0_i32 = arith.constant 0 : i32
    %c0_i32_0 = arith.constant 0 : i32
    %c0_i32_1 = arith.constant 0 : i32
    return %c0_i32, %c0_i32_0 : i32, i32
  }
  func.func @transform_3(%arg0: i32) -> (i32, i32) {
    %c0_i32 = arith.constant 0 : i32
    %c0_i32_0 = arith.constant 0 : i32
    %c0_i32_1 = arith.constant 0 : i32
    return %c0_i32, %c0_i32_0 : i32, i32
  }
  func.func @transform_4(%arg0: i32) -> (i32, i32) {
    %c0_i32 = arith.constant 0 : i32
    %c0_i32_0 = arith.constant 0 : i32
    %c0_i32_1 = arith.constant 0 : i32
    return %c0_i32, %c0_i32_0 : i32, i32
  }
  func.func @transform_5(%arg0: i32) -> (i32, i32) {
    %c0_i32 = arith.constant 0 : i32
    %c0_i32_0 = arith.constant 0 : i32
    return %arg0, %c0_i32 : i32, i32
  }
  func.func @transform_6(%arg0: i32) -> (i32, i32) {
    %c0_i32 = arith.constant 0 : i32
    %c0_i32_0 = arith.constant 0 : i32
    %c0_i32_1 = arith.constant 0 : i32
    return %c0_i32, %c0_i32_0 : i32, i32
  }
}

</mosaic_0001>

<sc_bundles>
// kernel: kernel.4.cloned.1.call-start
scs
__scs_entry_jumppad:
0x0: {  	(pc) =	sbr.rel $0x88, $3  }
0x1: {  	(tag) =	ssettag $0x0;
	lr =	simm.s32 $0x1  }
0x2: {  	[smem:$0x3F9F] =	sst lr;
	_ =	strace $0xD0000000  }
0x3: {  	_ = 	snop  }
0x4: {  	_ = 	snop  }
0x5: {  	_ = 	snop  }
0x6: {  	_ = 	snop  }
0x7: {  	_ = 	snop  }
__scs_overlays_trampoline_lowered:
0x8: {  	[smem:$0x3FAE] =	sst s0  }
0x9: {  	[smem:$0x3FAF] =	sst s1  }
0xa: {  	[smem:$0x3FB0] =	sst s2  }
0xb: {  	[smem:$0x3FB1] =	sst s3  }
0xc: {  	[smem:$0x3FB2] =	sst s4  }
0xd: {  	[smem:$0x3FB3] =	sst s5  }
0xe: {  	[smem:$0x3FB4] =	sst s6  }
0xf: {  	[smem:$0x3FB5] =	sst s7  }
0x10: {  	[smem:$0x3FB6] =	sst s8  }
0x11: {  	[smem:$0x3FB7] =	sst s9;
	s0 =	simm.s32 @!p0 $0x0  }
0x12: {  	s1 =	sld [smem:$0x3F9D];
	s0 =	simm.s32 @p0 $0x1  }
0x13: {  	[smem:$0x3FB8] =	sst s0;
	s0 =	simm.s32 @!p1 $0x0  }
0x14: {  	s2 =	sld [smem:$0x3F9C];
	s0 =	simm.s32 @p1 $0x1  }
0x15: {  	[smem:$0x3FB9] =	sst s0;
	s0 =	simm.s32 @!p2 $0x0  }
0x16: {  	s3 =	sld [smem:$0x3FDB];
	s0 =	simm.s32 @p2 $0x1  }
0x17: {  	s4 =	simm.s32 $0x1BF5;
	[smem:$0x3FBB] =	sst s0  }
0x18: {  	s0 =	sld [smem:$0x3F9E];
	_ =	swait.ge [sflag:s4], $0x0  }
0x19: {  	s7 =	sld [smem:$0x3F9F]  }
0x1a: {  	s8 =	sadd.s32 $0xFFFFE003, lr  }
0x1b: {  	s9 =	sadd.s32 $0xFFFFFEF7, lr;
	s5 =	simm.s32 $0xFFFFFFFF;
	p2 =	slt.u32 s8, $0xFFFFF086  }
0x1c: {  	p1 =	slt.u32 s9, $0xF7A;
	s5 =	simm.s32 @!p2 $0x0  }
0x1d: {  	s5 =	simm.s32 @p1 $0x1;
	p0 =	seq.s32 s7, s2  }
0x1e: {  	s7 =	smul.u32 @!p0 $0xF7A, s2;
	p2 =	seq.s32 @!p0 s5, $0x0  }
0x1f: {  	s9 =	smul.u32 $0xF7A, s1;
	s8 =	simm.s32 @!p0 $0x1BF5;
	p2 =	por !p2, p0  }
0x20: {  	[sflag:s8] =	ssyncset.s32 @!p0 $0xFFFFF086;
	s6 =	sadd.s32 @!p0 s3, s7;
	s7 =	simm.s32 @!p0 $0x108  }
0x21: {  	s3 =	sadd.s32 s3, s9;
	s6 =	sadd.s32 @!p0 $0x88, s6;
	s7 =	simm.s32 @p2 $0x1082  }
0x22: {  	[simem:s7], [sflag:s8] =	dma.local @!p0 [hbm:s6], $0xF7A  }
0x23: {  	s9 =	sor.u32 $0xD0000000, s2;
	s6 =	simm.s32 $0x108;
	_ =	swait.ge @!p0 [sflag:s8], $0x0  }
0x24: {  	s3 =	sadd.s32 $0x88, s3;
	s6 =	simm.s32 @!p1 $0x1082;
	[sflag:s4] =	ssyncset.s32 $0xFFFFF086  }
0x25: {  	[simem:s6], [sflag:s4] =	dma.local [hbm:s3], $0xF7A  }
0x26: {  	[smem:$0x3F9F] =	sst s1;
	(tag) =	ssettag s2;
	_ =	strace s9  }
0x27: {  	s1 =	sld [smem:$0x3FAF]  }
0x28: {  	s2 =	sld [smem:$0x3FB0]  }
0x29: {  	s4 =	sld [smem:$0x3FB2]  }
0x2a: {  	p0 =	seq.s32 s5, $0x0;
	s5 =	sld [smem:$0x3FB3]  }
0x2b: {  	s6 =	sld [smem:$0x3FB4]  }
0x2c: {  	s7 =	sld [smem:$0x3FB5]  }
0x2d: {  	s3 =	simm.s32 $0x108;
	s8 =	sld [smem:$0x3FB6]  }
0x2e: {  	s3 =	simm.s32 @!p0 $0x1082;
	s9 =	sld [smem:$0x3FB7]  }
0x2f: {  	lr =	sadd.s32 s0, s3;
	s0 =	sld [smem:$0x3FAE]  }
0x30: {  	s3 =	sld [smem:$0x3FB1]  }
0x31: {  	[smem:$0x3FBA] =	sst s10  }
0x32: {  	s10 =	sld [smem:$0x3FB8];
	_ =	sdelay $0x3  }
0x33: {  	p0 =	seq.s32 s10, $0x1;
	s10 =	sld [smem:$0x3FBA];
	_ =	sdelay $0x3  }
0x34: {  	[smem:$0x3FBA] =	sst s10  }
0x35: {  	s10 =	sld [smem:$0x3FB9];
	_ =	sdelay $0x3  }
0x36: {  	p1 =	seq.s32 s10, $0x1;
	s10 =	sld [smem:$0x3FBA];
	_ =	sdelay $0x3  }
0x37: {  	[smem:$0x3FBA] =	sst s10  }
0x38: {  	s10 =	sld [smem:$0x3FBB]  }
0x39: {  	_ = 	snop;
	(pc) =	sbr.ind lr, $3  }
0x3a: {  	_ = 	snop  }
0x3b: {  	_ = 	snop  }
0x3c: {  	p2 =	seq.s32 s10, $0x1;
	s10 =	sld [smem:$0x3FBA]  }
0x3d: {  	_ =	shalt  }
0x3e: {  	_ =	shalt  }
0x3f: {  	_ =	shalt  }
0x40: {  	_ =	shalt  }
0x41: {  	_ =	shalt  }
0x42: {  	_ =	shalt  }
0x43: {  	_ =	shalt  }
0x44: {  	_ =	shalt  }
0x45: {  	_ =	shalt  }
0x46: {  	_ =	shalt  }
0x47: {  	_ =	shalt  }
0x48: {  	_ =	shalt  }
0x49: {  	_ =	shalt  }
0x4a: {  	_ =	shalt  }
0x4b: {  	_ =	shalt  }
0x4c: {  	_ =	shalt  }
0x4d: {  	_ =	shalt  }
0x4e: {  	_ =	shalt  }
0x4f: {  	_ =	shalt  }
0x50: {  	_ =	shalt  }
0x51: {  	_ =	shalt  }
0x52: {  	_ =	shalt  }
0x53: {  	_ =	shalt  }
0x54: {  	_ =	shalt  }
0x55: {  	_ =	shalt  }
0x56: {  	_ =	shalt  }
0x57: {  	_ =	shalt  }
0x58: {  	_ =	shalt  }
0x59: {  	_ =	shalt  }
0x5a: {  	_ =	shalt  }
0x5b: {  	_ =	shalt  }
0x5c: {  	_ =	shalt  }
0x5d: {  	_ =	shalt  }
0x5e: {  	_ =	shalt  }
0x5f: {  	_ =	shalt  }
0x60: {  	_ =	shalt  }
0x61: {  	_ =	shalt  }
0x62: {  	_ =	shalt  }
0x63: {  	_ =	shalt  }
0x64: {  	_ =	shalt  }
0x65: {  	_ =	shalt  }
0x66: {  	_ =	shalt  }
0x67: {  	_ =	shalt  }
0x68: {  	_ =	shalt  }
0x69: {  	_ =	shalt  }
0x6a: {  	_ =	shalt  }
0x6b: {  	_ =	shalt  }
0x6c: {  	_ =	shalt  }
0x6d: {  	_ =	shalt  }
0x6e: {  	_ =	shalt  }
0x6f: {  	_ =	shalt  }
0x70: {  	_ =	shalt  }
0x71: {  	_ =	shalt  }
0x72: {  	_ =	shalt  }
0x73: {  	_ =	shalt  }
0x74: {  	_ =	shalt  }
0x75: {  	_ =	shalt  }
0x76: {  	_ =	shalt  }
0x77: {  	_ =	shalt  }
0x78: {  	_ =	shalt  }
0x79: {  	_ =	shalt  }
0x7a: {  	_ =	shalt  }
0x7b: {  	_ =	shalt  }
0x7c: {  	_ =	shalt  }
0x7d: {  	_ =	shalt  }
0x7e: {  	_ =	shalt  }
0x7f: {  	_ =	shalt  }
0x80: {  	_ =	shalt  }
0x81: {  	_ =	shalt  }
0x82: {  	_ =	shalt  }
0x83: {  	_ =	shalt  }
0x84: {  	_ =	shalt  }
0x85: {  	_ =	shalt  }
0x86: {  	_ =	shalt  }
0x87: {  	_ =	shalt  }
.Lfunc_end0:
.L_simem_size_0:
called_computation_lowered:
.L_overlay_start_0:
0x88: {  	s2 =	sld [smem:$0x3FD9]  }
0x89: {  	s3 =	sld [smem:$0x3FFE];
	_ =	sdelay $0x1  }
0x8a: {  	s1 =	srdreg.scid  }
0x8b: {  	s0 =	sand.u32 $0x1, s1  }
0x8c: {  	s14 =	sshll.u32 s0, $0xA;
	s2 =	sadd.s32 s3, s2  }
0x8d: {  	s2 =	sadd.s32 s2, s14  }
0x8e: {  	[smem:$0x3FC6] =	sst s2  }
0x8f: {  	_ = 	snop  }
0x90: {  	s2 =	sld [smem:$0x3FD0];
	_ =	sdelay $0x2  }
0x91: {  	s15 =	simm.s32 $0xA;
	s4 =	simm.s32 $0x10  }
0x92: {  	[smem:s4], [sflag:s15] =	dma.local [hbm:s2], $0x1  }
0x93: {  	_ =	swait.eq [sflag:s15], $0x1  }
0x94: {  	[sflag:s15] =	ssyncset.done $0x0  }
0x95: {  	[sflag:s15] =	ssyncadd.s32 $0xFFFFFFFF  }
0x96: {  	s16 =	sld [smem:$0x10];
	(tm) =	ssettm $0x1  }
0x97: {  	s17 =	sld [smem:$0x3FFB];
	_ =	sdelay $0x3  }
0x98: {  	_ =	strace s17  }
0x99: {  	s3 =	sld [smem:$0x3FFC];
	_ =	sdelay $0x3  }
0x9a: {  	_ =	strace s3  }
0x9b: {  	s3 =	sld [smem:$0x3FFD];
	_ =	sdelay $0x3  }
0x9c: {  	_ =	strace s3  }
0x9d: {  	_ =	strace $0x8FFFFFFF  }
0x9e: {  	s18 =	sld [smem:$0x3FDB];
	_ =	sdelay $0x1  }
0x9f: {  	s19 =	simm.s32 $_scs_section_size  }
0xa0: {  	s5 =	simm.s32 $_size__tile_overlayer_lowered;
	s6 =	simm.s32 $_tile_overlayer_lowered  }
0xa1: {  	s22 =	simm.s32 $0x1BFF;
	s21 =	sshll.u32 s6, $0x1;
	s3 =	sadd.s32 s19, s18  }
0xa2: {  	s7 =	simm.s32 $0x0;
	s20 =	sshll.u32 s5, $0x1;
	s5 =	sadd.s32 s21, s3  }
0xa3: {  	[timem:s7], [sflag:s22] =	dma.local [hbm:s5], s20  }
0xa4: {  	_ =	swait.ge [sflag:s22], s20  }
0xa5: {  	s4 =	ssub.s32 $0x0, s20;
	[sflag:s22] =	ssyncset.done $0x0  }
0xa6: {  	[sflag:s22] =	ssyncadd.s32 s4;
	_ =	sdelay $0x1  }
0xa7: {  	s23 =	simm.s32 $0x1B8B  }
0xa8: {  	_ =	swait.ge [sflag:s23], $0x1  }
0xa9: {  	[sflag:s23] =	ssyncset.done $0x0  }
0xaa: {  	s25 =	simm.s32 $0x1B8E;
	s24 =	sld [smem:$0x3FFE];
	[sflag:s23] =	ssyncadd.s32 $0xFFFFFFFF  }
0xab: {  	s26 =	simm.s32 $execute0_lowered;
	[smem:$0x3FD2] =	sst s25  }
0xac: {  	s5 =	sshll.u32 s26, $0x1;
	_ =	strace $0x80000046;
	[dreg:$0x1] =	wrdreg $0xFFFFFFFF  }
0xad: {  	s28 =	simm.s32 $_size_execute0_lowered;
	s3 =	sadd.s32 s3, s5;
	[dreg:$0x0] =	wrdreg $0x0  }
0xae: {  	s5 =	sshll.u32 s28, $0x1;
	[dreg:$0x2] =	wrdreg s3  }
0xaf: {  	[dreg:$0x3] =	wrdreg s5  }
0xb0: {  	[dreg:$0x4] =	wrdreg $0xC0  }
0xb1: {  	_ =	task [dreg:s7], $0x5FFFF  }
0xb2: {  	[dreg:$0x1] =	wrdreg $0xFFFFFFFF  }
0xb3: {  	[dreg:$0x0] =	wrdreg $0x60  }
0xb4: {  	[dreg:$0x2] =	wrdreg s16  }
0xb5: {  	[dreg:$0x3] =	wrdreg s24  }
0xb6: {  	[dreg:$0x4] =	wrdreg $0x9  }
0xb7: {  	_ =	task.clear_ibuf [dreg:s7], $0x5FFFF;
	_ =	strace $0x90000046  }
0xb8: {  	s29 =	simm.s32 $0x9;
	_ =	strace $0x80000048  }
0xb9: {  	_ =	swait.ge [sflag:s29], $0x1  }
0xba: {  	[sflag:s29] =	ssyncadd.s32 $0xFFFFFFFF  }
0xbb: {  	_ =	strace $0x90000048  }
0xbc: {  	_ =	sfence  }
0xbd: {  	s30 =	sld [smem:$0x0];
	_ =	sdelay $0x2  }
0xbe: {  	s31 =	sshll.u32 s1, $0xD;
	s1 =	sshrl.u32 s1, $0x2  }
0xbf: {  	s3 =	sand.u32 $0x4000, s31;
	s1 =	sadd.s32 s1, s30  }
0xc0: {  	s0 =	sor.u32 s3, s0;
	s1 =	sshll.u32 s1, $0x11  }
0xc1: {  	s0 =	sor.u32 s1, s0  }
0xc2: {  	s0 =	sadd.s32 $0x8F2B, s0  }
0xc3: {  	[sflag:s0] =	ssyncadd.remote.s32 $0x1  }
0xc4: {  	_ =	sfence.sel $0xFFFF  }
0xc5: {  	[dreg:$0x0] =	wrdreg $0xFFFFFFFF;
	(pc) =	sbr.abs _section_cstart, $3  }
0xc6: {  	[dreg:$0x1] =	wrdreg $0xFFFFFFFF  }
0xc7: {  	_ =	task.clear_ibuf [dreg:s7], $0x2FFFF;
	_ =	strace $0x9FFFFFFF  }
0xc8: {  	(tm) =	ssettm $0x7FFFFFFF  }
0xc9: {  	_ =	shalt  }
tec
execute0_lowered:
.L_overlay_start_1:
0x0: {  	(tag) =	ssettag $0x1  }
0x1: {  	s2 =	rddreg [dreg:$0x0]  }
0x2: {  	s5 =	rddreg [dreg:$0x1];
	s3 =	srdreg.scid  }
0x3: {  	s0 =	rddreg [dreg:$0x2];
	s1 =	stileid.u32  }
0x4: {  	s9 =	simm.s32 $0x80;
	s10 =	simm.s32 $0x100;
	s11 =	simm.s32 $0x1100  }
0x5: {  	s12 =	simm.s32 $0x2100;
	s13 =	simm.s32 $0x1;
	s4 =	sand.u32 $0x1, s3  }
0x6: {  	s3 =	simm.s32 $0x0;
	s6 =	sshll.u32 s1, $0x2;
	s7 =	sshll.u32 s4, $0x1  }
0x7: {  	s14 =	simm.s32 $0x0;
	[smem:$0x7FF] =	sst s3;
	s6 =	sor.u32 s7, s6  }
0x8: {  	s4 =	ssub.s32 $0x2, s4;
	_ =	strace $0x80000047;
	s7 =	sshll.u32 s6, $0x4  }
0x9: {  	s8 =	sshrl.u32 s4, $0x1;
	s6 =	sshll.u32 s6, $0x9;
	s7 =	sadd.s32 s7, s5  }
0xa: {  	s8 =	ssub.s32 s4, s8;
	s5 =	sadd.s32 s5, s6;
	s4 =	sadd.s32 $0x8000, s7  }
0xb: {  	s6 =	sadd.s32 $0x8400, s5;
	s7 =	smax.u32 s8, $0x1;
	s8 =	simm.s32 $0x2  }
.LBB2_1:
0xc: {  	[tilespmem:s3], [sflag:$0x2] =	stream.linear.gather [hbm4b:s4+s3], $0x100, $0x38;
	[tilespmem:$0x4100] =	vst v63  }
0xd: {  	_ =	swait.ge [sflag:s8], $0x100  }
0xe: {  	[sflag:s8] =	ssyncset.done $0x0  }
0xf: {  	[sflag:s8] =	ssyncadd.s32 $0xFFFFFF00  }
0x10: {  	[tilespmem:s10], [sflag:$0x1] =	stream.indirect.gather [hbm4b:s2+s9], $0x20, s3, s9, $0xb8;
	[tilespmem:$0x4100] =	vst v63  }
0x11: {  	_ = 	snop  }
0x12: {  	[tilespmem:s11], [sflag:$0x1] =	stream.indirect.gather [hbm4b:s2+s9], $0x20, s9, s9, $0xb8;
	[tilespmem:$0x4100] =	vst v63  }
0x13: {  	_ = 	snop  }
0x14: {  	[tilespmem:s12], [sflag:$0x2] =	stream.linear.gather [hbm4b:s5+s3], $0x2000, $0x38;
	[tilespmem:$0x4100] =	vst v63  }
0x15: {  	_ =	swait.ge [sflag:s8], $0x2000  }
0x16: {  	[sflag:s8] =	ssyncset.done $0x0  }
0x17: {  	[sflag:s8] =	ssyncadd.s32 $0xFFFFE000  }
0x18: {  	_ =	swait.ge [sflag:s13], $0x1000  }
0x19: {  	[sflag:s13] =	ssyncset.done $0x0  }
0x1a: {  	[sflag:s13] =	ssyncadd.s32 $0xFFFFF000  }
0x1b: {  	_ =	swait.ge [sflag:s13], $0x1000  }
0x1c: {  	[sflag:s13] =	ssyncset.done $0x0  }
0x1d: {  	s15 =	simm.s32 $0x0;
	[sflag:s13] =	ssyncadd.s32 $0xFFFFF000  }
0x1e: {  	v2 =	vld [tilespmem:s15+$0x2100]  }
0x1f: {  	v3 =	vld [tilespmem:s15+$0x2110]  }
0x20: {  	v0 =	vld [tilespmem:s15+$0x3100]  }
0x21: {  	v1 =	vld [tilespmem:s15+$0x3110]  }
0x22: {  	v4 =	vld [tilespmem:s15+$0x100]  }
0x23: {  	v6 =	vld [tilespmem:s15+$0x110]  }
0x24: {  	s16 =	simm.s32 $0x80;
	v5 =	vld [tilespmem:s15+$0x1100]  }
.LBB2_2:
0x25: {  	p0 =	sne.s32 s16, $0x3F80;
	v7 =	vld [tilespmem:s15+$0x1110];
	v8 =	vmov v0  }
0x26: {  	v9 =	vmov v1  }
0x27: {  	s17 =	sshra.s32 s16, $0x2;
	v0 =	vsub.f32 v4, v2  }
0x28: {  	v10 =	vld [tilespmem:s17+$0x2100];
	v1 =	vsub.f32 v6, v3  }
0x29: {  	v11 =	vld [tilespmem:s17+$0x2110];
	v2 =	vadd.f32 v0, v2;
	v4 =	vsub.f32 v5, v8  }
.Ltmp0:
0x2a: {  	v0 =	vld [tilespmem:s17+$0x3100];
	v3 =	vadd.f32 v1, v3;
	v5 =	vsub.f32 v7, v9;
	(pc) =	sbr.rel @p0 .LBB2_2-.Ltmp0, $4  }
0x2b: {  	v1 =	vld [tilespmem:s17+$0x3110];
	[tilespmem:s15+$0x100] =	vst v2;
	v7 =	vadd.f32 v4, v8  }
0x2c: {  	v4 =	vld [tilespmem:s17+$0x100];
	[tilespmem:s15+$0x110] =	vst v3;
	v8 =	vadd.f32 v5, v9  }
0x2d: {  	v6 =	vld [tilespmem:s17+$0x110];
	[tilespmem:s15+$0x1100] =	vst v7;
	v2 =	vmov v10  }
0x2e: {  	s16 =	sadd.s32 $0x80, s16;
	v5 =	vld [tilespmem:s17+$0x1100];
	[tilespmem:s15+$0x1110] =	vst v8;
	v3 =	vmov v11;
	s15 =	smov.u32 s17  }
0x2f: {  	v7 =	vld [tilespmem:s15+$0x1110];
	_ =	sdelay $0x1  }
0x30: {  	v4 =	vsub.f32 v4, v2  }
0x31: {  	v6 =	vsub.f32 v6, v3  }
0x32: {  	v2 =	vadd.f32 v4, v2;
	v62 =	vsub.f32 v5, v0  }
0x33: {  	v3 =	vadd.f32 v6, v3;
	v63 =	vsub.f32 v7, v1  }
0x34: {  	[tilespmem:s15+$0x100] =	vst v2;
	v0 =	vadd.f32 v62, v0  }
0x35: {  	s14 =	sadd.s32 $0x1, s14;
	[tilespmem:s15+$0x110] =	vst v3;
	v1 =	vadd.f32 v63, v1  }
0x36: {  	p0 =	sne.s32 s14, s7;
	[tilespmem:s15+$0x1100] =	vst v0  }
.Ltmp1:
0x37: {  	[tilespmem:s15+$0x1110] =	vst v1;
	(pc) =	sbr.rel @p0 .LBB2_1-.Ltmp1, $4  }
0x38: {  	[hbm4b:s6+s3] =	stream.linear.scatter [tilespmem:s10], [sflag:$0x2], $0x2000, $0x38;
	[tilespmem:$0x4100] =	vst v63  }
0x39: {  	_ =	swait.ge [sflag:s8], $0x2000  }
0x3a: {  	[sflag:s8] =	ssyncset.done $0x0  }
0x3b: {  	[sflag:s8] =	ssyncadd.s32 $0xFFFFE000  }
0x3c: {  	_ =	sfence.sel $0x180000  }
0x3d: {  	[bflag:$0x0] =	sbarrier.arrive $0xFFFF  }
0x3e: {  	p0 =	sne.s32 s1, $0x0;
	_ =	strace $0x90000047  }
0x3f: {  	s0 =	sadd.s32 @!p0 $0x100000, s0;
	[bflag:$0x2] =	sbarrier.arrive $0xFFFF  }
0x40: {  	[sflag:s0] =	ssyncadd.tile.s32 @!p0 $0x1;
	_ =	shalt  }
.Lfunc_end2:
_tile_overlayer_lowered:
.L_overlay_start_2:
0x41: {  	(tag) =	ssettag $0x2  }
0x42: {  	s0 =	rddreg [dreg:$0x0];
	s2 =	stileid.u32  }
0x43: {  	s1 =	rddreg [dreg:$0x1];
	p0 =	sne.s32 s2, $0x0  }
0x44: {  	s3 =	rddreg [dreg:$0x2];
	[bflag:$0x3] =	sbarrier.arrive $0xFFFF;
	s2 =	simm.s32 @!p0 $0x1C02  }
0x45: {  	[timem:s3], [sflag:s2] =	dma.local @!p0 [hbm:s0], s1  }
0x46: {  	s0 =	simm.s32 @!p0 $0x2  }
0x47: {  	_ =	swait.ge @!p0 [sflag:s0], s1  }
0x48: {  	s1 =	ssub.s32 @!p0 $0x0, s1;
	[sflag:s0] =	ssyncset.done @!p0 $0x0  }
0x49: {  	[sflag:s0] =	ssyncadd.s32 @!p0 s1  }
0x4a: {  	[bflag:$0x3] =	sbarrier.arrive $0xFFFF  }
0x4b: {  	_ =	shalt  }

</sc_bundles>
